<compile_context>
chip_gen: v7x
topology: tpu7x:2x2x1
jax: 0.10.2.dev20260603
libtpu: 0.0.44.dev20260713+nightly
codegen_flags: <defaults>
</compile_context>

<pallas_src>
import jax
import jax.numpy as jnp
from jax import lax
from jax.experimental import pallas as pl
from jax.experimental.pallas import tpu as pltpu
from jax.experimental.pallas import tpu_sc as plsc

VOCAB = 100000
H = 768
B = 1024
S = 50
SHALF = S // 2
NW = 32
CH = 32
BCH = B // CH
NCH = SHALF * BCH // NW
DEPTH = 2
EPS = 1e-5


def _sc_gather(table_hbm, idx_hbm, out_hbm, idx_v, bufs, sems):
    wid = lax.axis_index("s") * 2 + lax.axis_index("c")
    base = wid * NCH
    pltpu.sync_copy(idx_hbm.at[pl.ds(base * CH, NCH * CH)], idx_v)

    def g_start(t, b):
        pltpu.async_copy(table_hbm.at[idx_v.at[pl.ds(t * CH, CH)]],
                         bufs[b], sems[b])

    def g_wait(t, b):
        pltpu.make_async_copy(table_hbm.at[idx_v.at[pl.ds(t * CH, CH)]],
                              bufs[b], sems[b]).wait()

    def g_out(t, b):
        gt = base + t
        s = gt // BCH
        b0 = (gt % BCH) * CH
        pltpu.sync_copy(bufs[b], out_hbm.at[s, pl.ds(b0, CH)])

    for b in range(DEPTH):
        g_start(b, b)

    def outer(g, _):
        for b in range(DEPTH):
            t = g * DEPTH + b
            g_wait(t, b)
            g_out(t, b)
            nxt = t + DEPTH

            @pl.when(nxt < NCH)
            def _():
                g_start(nxt, b)
        return _
    lax.fori_loop(0, NCH // DEPTH, outer, None)
    t_last = NCH - 1
    g_wait(t_last, t_last % DEPTH)
    g_out(t_last, t_last % DEPTH)


def _gather_rows(fixed_ans_emb, idx_half):
    mesh = plsc.VectorSubcoreMesh(core_axis_name="c", subcore_axis_name="s")
    fn = pl.kernel(
        _sc_gather,
        mesh=mesh,
        out_type=jax.ShapeDtypeStruct((SHALF, B, H), jnp.float32),
        scratch_types=[
            pltpu.VMEM((NCH * CH,), jnp.int32),
            [pltpu.VMEM((CH, H), jnp.float32) for _ in range(DEPTH)],
            [pltpu.SemaphoreType.DMA for _ in range(DEPTH)],
        ],
    )
    return fn(fixed_ans_emb, idx_half)


def _make_tc_ln(qoff):
    def _tc_ln(gath_ref, pos_ref, gpos_ref, bpos_ref, gans_ref, bans_ref,
               *rest):
        out_ref, padd_ref = rest[-2], rest[-1]
        si = pl.program_id(0)

        @pl.when(si == 0)
        def _():
            p = pos_ref[...]
            m = jnp.mean(p, axis=1, keepdims=True)
            d = p - m
            v = jnp.mean(d * d, axis=1, keepdims=True)
            padd_ref[...] = (d * lax.rsqrt(v + EPS) * gpos_ref[...]
                             + bpos_ref[...] + bans_ref[...])

        x = gath_ref[...]
        m = jnp.mean(x, axis=2, keepdims=True)
        v = jnp.mean(x * x, axis=2, keepdims=True) - m * m
        out_ref[...] = ((x - m) * lax.rsqrt(v + EPS) * gans_ref[...][None]
                        + padd_ref[pl.ds(si + qoff, 1)][None])
    return _tc_ln


_SMALL_SPECS = [
    pl.BlockSpec((S, H), lambda i: (0, 0)),
    pl.BlockSpec((1, H), lambda i: (0, 0)),
    pl.BlockSpec((1, H), lambda i: (0, 0)),
    pl.BlockSpec((1, H), lambda i: (0, 0)),
    pl.BlockSpec((1, H), lambda i: (0, 0)),
]


def _ln_half0(g0, pos_table, gpos2, bpos2, gans2, bans2):
    return pl.pallas_call(
        _make_tc_ln(0),
        grid=(SHALF,),
        in_specs=[pl.BlockSpec((1, B, H), lambda i: (i, 0, 0))]
        + _SMALL_SPECS,
        out_specs=pl.BlockSpec((1, B, H), lambda i: (i, 0, 0)),
        out_shape=jax.ShapeDtypeStruct((S, B, H), jnp.float32),
        scratch_shapes=[pltpu.VMEM((S, H), jnp.float32)],
    )(g0, pos_table, gpos2, bpos2, gans2, bans2)


def _ln_half1(g1, big, pos_table, gpos2, bpos2, gans2, bans2):
    return pl.pallas_call(
        _make_tc_ln(SHALF),
        grid=(SHALF,),
        in_specs=[pl.BlockSpec((1, B, H), lambda i: (i, 0, 0))]
        + _SMALL_SPECS
        + [pl.BlockSpec(memory_space=pl.ANY)],
        out_specs=pl.BlockSpec((1, B, H), lambda i: (i + SHALF, 0, 0)),
        out_shape=jax.ShapeDtypeStruct((S, B, H), jnp.float32),
        scratch_shapes=[pltpu.VMEM((S, H), jnp.float32)],
        input_output_aliases={6: 0},
    )(g1, pos_table, gpos2, bpos2, gans2, bans2, big)


@jax.jit
def _prev_embedding(fixed_ans_emb, idx_pm, pos_table, ln_pos_g, ln_pos_b,
                    ln_ans_g, ln_ans_b):
    gpos2 = ln_pos_g.reshape(1, H)
    bpos2 = ln_pos_b.reshape(1, H)
    gans2 = ln_ans_g.reshape(1, H)
    bans2 = ln_ans_b.reshape(1, H)
    nh = SHALF * B
    g0 = _gather_rows(fixed_ans_emb, idx_pm[:nh])
    g1 = _gather_rows(fixed_ans_emb, idx_pm[nh:])
    big = _ln_half0(g0, pos_table, gpos2, bpos2, gans2, bans2)
    z = _ln_half1(g1, big, pos_table, gpos2, bpos2, gans2, bans2)
    return jnp.transpose(z, (1, 0, 2))


def kernel(fixed_ans_emb, prev_inds, pos_table, ln_pos_g, ln_pos_b,
           ln_ans_g, ln_ans_b):
    idx_pm = prev_inds.astype(jnp.int32).T.reshape(-1)
    return _prev_embedding(fixed_ans_emb, idx_pm, pos_table, ln_pos_g,
                           ln_pos_b, ln_ans_g, ln_ans_b)

# --- scband reference (transcript-rebuilt; emitter-appended) ---
"""Pipeline reference for scband-prev-embedding-88923002896942 (READ-ONLY COPY).

The authoritative reference and input builder live on the scoring server;
editing this copy changes nothing except your own understanding.
"""

import jax, jax.numpy as jnp
import numpy as np
import math

VOCAB = 100000
HIDDEN = 768
BATCH = 1024
SEQ = 50
DEC_LENGTH = 50


def _layer_norm(x, g, b, eps=1e-5):
    m = jnp.mean(x, axis=-1, keepdims=True)
    v = jnp.var(x, axis=-1, keepdims=True)
    return (x - m) / jnp.sqrt(v + eps) * g + b


def _sinusoidal_pe():
    pe = np.zeros((DEC_LENGTH, HIDDEN), dtype=np.float32)
    position = np.arange(0, DEC_LENGTH, dtype=np.float32)[:, None]
    div_term = np.exp(np.arange(0, HIDDEN, 2, dtype=np.float32) * (-math.log(10000.0) / HIDDEN))
    pe[:, 0::2] = np.sin(position * div_term)
    pe[:, 1::2] = np.cos(position * div_term)
    return jnp.asarray(pe)


def setup_inputs(seed: int = 0) -> dict:
    key = jax.random.key(seed)
    k1, k2 = jax.random.split(key)
    fixed_ans_emb = jax.random.normal(k1, (VOCAB, HIDDEN), dtype=jnp.float32)
    prev_inds = jax.random.randint(k2, (BATCH, SEQ), 0, VOCAB, dtype=jnp.int64 if jax.config.jax_enable_x64 else jnp.int32)
    pos_table = _sinusoidal_pe()  # positional_embedding.weight after init_pe_weights
    ln_pos_g = jnp.ones((HIDDEN,), dtype=jnp.float32)   # emb_layer_norm
    ln_pos_b = jnp.zeros((HIDDEN,), dtype=jnp.float32)
    ln_ans_g = jnp.ones((HIDDEN,), dtype=jnp.float32)   # fixed_ans_emb_norm
    ln_ans_b = jnp.zeros((HIDDEN,), dtype=jnp.float32)
    return {
        "fixed_ans_emb": fixed_ans_emb,
        "prev_inds": prev_inds,
        "pos_table": pos_table,
        "ln_pos_g": ln_pos_g,
        "ln_pos_b": ln_pos_b,
        "ln_ans_g": ln_ans_g,
        "ln_ans_b": ln_ans_b,
    }


def reference(fixed_ans_emb, prev_inds, pos_table, ln_pos_g, ln_pos_b, ln_ans_g, ln_ans_b):
    batch_size = prev_inds.shape[0]
    current_seq_length = prev_inds.shape[1]
    # fixed_ans_emb_norm over the whole vocab table
    fa = _layer_norm(fixed_ans_emb, ln_ans_g, ln_ans_b)
    # batch gather: since the table is shared across the batch, expand+gather == take rows
    last_word_embed = jnp.take(fa, prev_inds, axis=0)  # [B, S, H]
    # positional embedding lookup
    position_ids = jnp.arange(current_seq_length)
    position_embed = jnp.take(pos_table, position_ids, axis=0)  # [S, H]
    position_embed = _layer_norm(position_embed, ln_pos_g, ln_pos_b)
    # dropout is identity in eval mode
    prev_emb = last_word_embed + position_embed[None, :, :]
    return prev_emb

if __name__ == "__main__":
    import jax
    _d = setup_inputs()
    print(jax.jit(kernel)(*tuple(_d.values())))

</pallas_src>

<mosaic_0001>
#map = affine_map<(d0, d1) -> (0, 0)>
#map1 = affine_map<(d0, d1) -> (0)>
#map2 = affine_map<(d0, d1) -> (0, 0, 0)>
module attributes {stable_mosaic.version = 14 : i64} {
  func.func @_sc_gather(%arg0: i32, %arg1: i32, %arg2: memref<100000x768xf32, #tpu.memory_space<hbm>>, %arg3: memref<25600xi32, #tpu.memory_space<hbm>>, %arg4: memref<25x1024x768xf32, #tpu.memory_space<hbm>>, %arg5: memref<800xi32, #tpu.memory_space<vmem>>, %arg6: memref<32x768xf32, #tpu.memory_space<vmem>>, %arg7: memref<32x768xf32, #tpu.memory_space<vmem>>, %arg8: memref<!tpu.dma_semaphore, #tpu.memory_space<semaphore_mem>>, %arg9: memref<!tpu.dma_semaphore, #tpu.memory_space<semaphore_mem>>) attributes {dimension_semantics = [#tpu.dimension_semantics<core_parallel>, #tpu.dimension_semantics<subcore_parallel>], iteration_bounds = array<i64: 2, 16>, scalar_prefetch = 0 : i64, scratch_operands = 5 : i64, tpu.core_type = #tpu.core_type<sc_vector_subcore>, window_params = [{transform_indices = #map}, {transform_indices = #map1}, {transform_indices = #map2}]} {
    %mul3A = arith.constant 2 : i32
    %mul3A_0 = arith.muli %arg1, %mul3A : i32
    %add3A = arith.addi %mul3A_0, %arg0 : i32
    %mul3A_1 = arith.constant 25 : i32
    %mul3A_2 = arith.muli %add3A, %mul3A_1 : i32
    %mul3A_3 = arith.constant 32 : i32
    %mul3A_4 = arith.muli %mul3A_2, %mul3A_3 : i32
    "tpu.region"() ({
      %run_scoped3A = tpu.sem_alloc : memref<!tpu.dma_semaphore, #tpu.memory_space<semaphore_mem>>
      %dma_start3A_56 = tpu.memref_slice %arg3[%mul3A_4] : memref<25600xi32, #tpu.memory_space<hbm>> -> memref<800xi32, #tpu.memory_space<hbm>>
      %dma_start3A_57 = tpu.memref_slice %arg3[%mul3A_4] : memref<25600xi32, #tpu.memory_space<hbm>> -> memref<800xi32, #tpu.memory_space<hbm>>
      tpu.enqueue_dma source(%dma_start3A_57 : memref<800xi32, #tpu.memory_space<hbm>>) target(%arg5 : memref<800xi32, #tpu.memory_space<vmem>>) target_semaphore(%run_scoped3A : memref<!tpu.dma_semaphore, #tpu.memory_space<semaphore_mem>>)
      %dma_wait3A_58 = tpu.memref_slice %arg3[%mul3A_4] : memref<25600xi32, #tpu.memory_space<hbm>> -> memref<800xi32, #tpu.memory_space<hbm>>
      %dma_wait3A_59 = tpu.memref_slice %arg3[%mul3A_4] : memref<25600xi32, #tpu.memory_space<hbm>> -> memref<800xi32, #tpu.memory_space<hbm>>
      tpu.wait_dma2 semaphore(%run_scoped3A : memref<!tpu.dma_semaphore, #tpu.memory_space<semaphore_mem>>) src(%dma_wait3A_59 : memref<800xi32, #tpu.memory_space<hbm>>) dst(%arg5 : memref<800xi32, #tpu.memory_space<vmem>>)
      tpu.yield
    }) : () -> ()
    %dma_start3A = arith.constant 0 : i32
    %dma_start3A_5 = tpu.memref_slice %arg5[%dma_start3A] : memref<800xi32, #tpu.memory_space<vmem>> -> memref<32xi32, #tpu.memory_space<vmem>>
    %dma_start3A_6 = arith.constant 0 : i32
    %dma_start3A_7 = arith.constant 0 : i32
    %dma_start3A_8 = tpu.memref_slice %arg2[%dma_start3A_6, %dma_start3A_7] : memref<100000x768xf32, #tpu.memory_space<hbm>> -> memref<100000x768xf32, #tpu.memory_space<hbm>>
    tpu.enqueue_indirect_dma source(%dma_start3A_8 : memref<100000x768xf32, #tpu.memory_space<hbm>>) target(%arg6 : memref<32x768xf32, #tpu.memory_space<vmem>>) offsets(%dma_start3A_5 : memref<32xi32, #tpu.memory_space<vmem>>) semaphore(%arg8 : memref<!tpu.dma_semaphore, #tpu.memory_space<semaphore_mem>>)
    %dma_start3A_9 = arith.constant 32 : i32
    %dma_start3A_10 = tpu.memref_slice %arg5[%dma_start3A_9] : memref<800xi32, #tpu.memory_space<vmem>> -> memref<32xi32, #tpu.memory_space<vmem>>
    %dma_start3A_11 = arith.constant 0 : i32
    %dma_start3A_12 = arith.constant 0 : i32
    %dma_start3A_13 = tpu.memref_slice %arg2[%dma_start3A_11, %dma_start3A_12] : memref<100000x768xf32, #tpu.memory_space<hbm>> -> memref<100000x768xf32, #tpu.memory_space<hbm>>
    tpu.enqueue_indirect_dma source(%dma_start3A_13 : memref<100000x768xf32, #tpu.memory_space<hbm>>) target(%arg7 : memref<32x768xf32, #tpu.memory_space<vmem>>) offsets(%dma_start3A_10 : memref<32xi32, #tpu.memory_space<vmem>>) semaphore(%arg9 : memref<!tpu.dma_semaphore, #tpu.memory_space<semaphore_mem>>)
    %scan3A = arith.constant 0 : i32
    %scan3A_14 = arith.constant 12 : i32
    %scan3A_15 = arith.addi %scan3A, %scan3A_14 : i32
    %scan3A_16 = arith.constant 1 : i32
    scf.for %scan3A_56 = %scan3A to %scan3A_15 step %scan3A_16  : i32 {
      %mul3A_57 = arith.constant 2 : i32
      %mul3A_58 = arith.muli %scan3A_56, %mul3A_57 : i32
      %add3A_59 = arith.constant 0 : i32
      %add3A_60 = arith.addi %mul3A_58, %add3A_59 : i32
      %mul3A_61 = arith.constant 32 : i32
      %mul3A_62 = arith.muli %add3A_60, %mul3A_61 : i32
      %dma_wait3A_63 = tpu.memref_slice %arg5[%mul3A_62] : memref<800xi32, #tpu.memory_space<vmem>> -> memref<32xi32, #tpu.memory_space<vmem>>
      %dma_wait3A_64 = arith.constant 0 : i32
      %dma_wait3A_65 = arith.constant 0 : i32
      %dma_wait3A_66 = tpu.memref_slice %arg2[%dma_wait3A_64, %dma_wait3A_65] : memref<100000x768xf32, #tpu.memory_space<hbm>> -> memref<100000x768xf32, #tpu.memory_space<hbm>>
      tpu.wait_indirect_dma semaphore(%arg8 : memref<!tpu.dma_semaphore, #tpu.memory_space<semaphore_mem>>) src(%dma_wait3A_66 : memref<100000x768xf32, #tpu.memory_space<hbm>>) dst(%arg6 : memref<32x768xf32, #tpu.memory_space<vmem>>)
      %add3A_67 = arith.addi %mul3A_2, %add3A_60 : i32
      %jit3A_68 = arith.constant 32 : i32
      %div3A_69 = arith.divsi %add3A_67, %jit3A_68 : i32
      %sign3A_70 = arith.constant 0 : i32
      %sign3A_71 = arith.cmpi sgt, %add3A_67, %sign3A_70 : i32
      %sign3A_72 = arith.extui %sign3A_71 : i1 to i32
      %sign3A_73 = arith.constant 0 : i32
      %sign3A_74 = arith.cmpi slt, %add3A_67, %sign3A_73 : i32
      %sign3A_75 = arith.extui %sign3A_74 : i1 to i32
      %sign3A_76 = arith.subi %sign3A_72, %sign3A_75 : i32
      %sign3A_77 = arith.constant 0 : i32
      %sign3A_78 = arith.cmpi sgt, %jit3A_68, %sign3A_77 : i32
      %sign3A_79 = arith.extui %sign3A_78 : i1 to i32
      %sign3A_80 = arith.constant 0 : i32
      %sign3A_81 = arith.cmpi slt, %jit3A_68, %sign3A_80 : i32
      %sign3A_82 = arith.extui %sign3A_81 : i1 to i32
      %sign3A_83 = arith.subi %sign3A_79, %sign3A_82 : i32
      %ne3A_84 = arith.cmpi ne, %sign3A_76, %sign3A_83 : i32
      %rem3A_85 = arith.remsi %add3A_67, %jit3A_68 : i32
      %ne3A_86 = arith.constant 0 : i32
      %ne3A_87 = arith.cmpi ne, %rem3A_85, %ne3A_86 : i32
      %and3A_88 = arith.andi %ne3A_84, %ne3A_87 : i1
      %sub3A_89 = arith.constant 1 : i32
      %sub3A_90 = arith.subi %div3A_69, %sub3A_89 : i32
      %select_n3A_91 = arith.select %and3A_88, %sub3A_90, %div3A_69 : i32
      %jit3A_92 = arith.constant 32 : i32
      %eq3A_93 = arith.constant 0 : i32
      %eq3A_94 = arith.cmpi eq, %jit3A_92, %eq3A_93 : i32
      %jit3A_95 = arith.constant 1 : i32
      %select_n3A_96 = arith.select %eq3A_94, %jit3A_95, %jit3A_92 : i32
      %rem3A_97 = arith.remsi %add3A_67, %select_n3A_96 : i32
      %ne3A_98 = arith.constant 0 : i32
      %ne3A_99 = arith.cmpi ne, %rem3A_97, %ne3A_98 : i32
      %lt3A_100 = arith.constant 0 : i32
      %lt3A_101 = arith.cmpi slt, %rem3A_97, %lt3A_100 : i32
      %lt3A_102 = arith.constant 0 : i32
      %lt3A_103 = arith.cmpi slt, %select_n3A_96, %lt3A_102 : i32
      %ne3A_104 = arith.xori %lt3A_101, %lt3A_103 : i1
      %and3A_105 = arith.andi %ne3A_104, %ne3A_99 : i1
      %add3A_106 = arith.addi %rem3A_97, %select_n3A_96 : i32
      %select_n3A_107 = arith.select %and3A_105, %add3A_106, %rem3A_97 : i32
      %mul3A_108 = arith.constant 32 : i32
      %mul3A_109 = arith.muli %select_n3A_107, %mul3A_108 : i32
      "tpu.region"() ({
        %run_scoped3A = tpu.sem_alloc : memref<!tpu.dma_semaphore, #tpu.memory_space<semaphore_mem>>
        %dma_start3A_175 = arith.constant 0 : i32
        %dma_start3A_176 = tpu.memref_slice %arg4[%select_n3A_91, %mul3A_109, %dma_start3A_175] : memref<25x1024x768xf32, #tpu.memory_space<hbm>> -> memref<1x32x768xf32, #tpu.memory_space<hbm>>
        %dma_start3A_177 = tpu.memref_squeeze %dma_start3A_176 : memref<1x32x768xf32, #tpu.memory_space<hbm>> -> memref<32x768xf32, #tpu.memory_space<hbm>>
        %dma_start3A_178 = arith.constant 0 : i32
        %dma_start3A_179 = tpu.memref_slice %arg4[%select_n3A_91, %mul3A_109, %dma_start3A_178] : memref<25x1024x768xf32, #tpu.memory_space<hbm>> -> memref<1x32x768xf32, #tpu.memory_space<hbm>>
        %dma_start3A_180 = tpu.memref_squeeze %dma_start3A_179 : memref<1x32x768xf32, #tpu.memory_space<hbm>> -> memref<32x768xf32, #tpu.memory_space<hbm>>
        tpu.enqueue_dma source(%arg6 : memref<32x768xf32, #tpu.memory_space<vmem>>) target(%dma_start3A_180 : memref<32x768xf32, #tpu.memory_space<hbm>>) target_semaphore(%run_scoped3A : memref<!tpu.dma_semaphore, #tpu.memory_space<semaphore_mem>>)
        %dma_wait3A_181 = arith.constant 0 : i32
        %dma_wait3A_182 = tpu.memref_slice %arg4[%select_n3A_91, %mul3A_109, %dma_wait3A_181] : memref<25x1024x768xf32, #tpu.memory_space<hbm>> -> memref<1x32x768xf32, #tpu.memory_space<hbm>>
        %dma_wait3A_183 = tpu.memref_squeeze %dma_wait3A_182 : memref<1x32x768xf32, #tpu.memory_space<hbm>> -> memref<32x768xf32, #tpu.memory_space<hbm>>
        %dma_wait3A_184 = arith.constant 0 : i32
        %dma_wait3A_185 = tpu.memref_slice %arg4[%select_n3A_91, %mul3A_109, %dma_wait3A_184] : memref<25x1024x768xf32, #tpu.memory_space<hbm>> -> memref<1x32x768xf32, #tpu.memory_space<hbm>>
        %dma_wait3A_186 = tpu.memref_squeeze %dma_wait3A_185 : memref<1x32x768xf32, #tpu.memory_space<hbm>> -> memref<32x768xf32, #tpu.memory_space<hbm>>
        tpu.wait_dma2 semaphore(%run_scoped3A : memref<!tpu.dma_semaphore, #tpu.memory_space<semaphore_mem>>) src(%arg6 : memref<32x768xf32, #tpu.memory_space<vmem>>) dst(%dma_wait3A_186 : memref<32x768xf32, #tpu.memory_space<hbm>>)
        tpu.yield
      }) : () -> ()
      %add3A_110 = arith.constant 2 : i32
      %add3A_111 = arith.addi %add3A_60, %add3A_110 : i32
      %lt3A_112 = arith.constant 25 : i32
      %lt3A_113 = arith.cmpi slt, %add3A_111, %lt3A_112 : i32
      %convert_element_type3A = arith.extui %lt3A_113 : i1 to i32
      %cond3A = arith.constant 0 : i32
      %cond3A_114 = arith.cmpi ne, %convert_element_type3A, %cond3A : i32
      scf.if %cond3A_114 {
        %mul3A_175 = arith.constant 32 : i32
        %mul3A_176 = arith.muli %add3A_111, %mul3A_175 : i32
        %dma_start3A_177 = tpu.memref_slice %arg5[%mul3A_176] : memref<800xi32, #tpu.memory_space<vmem>> -> memref<32xi32, #tpu.memory_space<vmem>>
        %dma_start3A_178 = arith.constant 0 : i32
        %dma_start3A_179 = arith.constant 0 : i32
        %dma_start3A_180 = tpu.memref_slice %arg2[%dma_start3A_178, %dma_start3A_179] : memref<100000x768xf32, #tpu.memory_space<hbm>> -> memref<100000x768xf32, #tpu.memory_space<hbm>>
        tpu.enqueue_indirect_dma source(%dma_start3A_180 : memref<100000x768xf32, #tpu.memory_space<hbm>>) target(%arg6 : memref<32x768xf32, #tpu.memory_space<vmem>>) offsets(%dma_start3A_177 : memref<32xi32, #tpu.memory_space<vmem>>) semaphore(%arg8 : memref<!tpu.dma_semaphore, #tpu.memory_space<semaphore_mem>>)
      } else {
      }
      %mul3A_115 = arith.constant 2 : i32
      %mul3A_116 = arith.muli %scan3A_56, %mul3A_115 : i32
      %add3A_117 = arith.constant 1 : i32
      %add3A_118 = arith.addi %mul3A_116, %add3A_117 : i32
      %mul3A_119 = arith.constant 32 : i32
      %mul3A_120 = arith.muli %add3A_118, %mul3A_119 : i32
      %dma_wait3A_121 = tpu.memref_slice %arg5[%mul3A_120] : memref<800xi32, #tpu.memory_space<vmem>> -> memref<32xi32, #tpu.memory_space<vmem>>
      %dma_wait3A_122 = arith.constant 0 : i32
      %dma_wait3A_123 = arith.constant 0 : i32
      %dma_wait3A_124 = tpu.memref_slice %arg2[%dma_wait3A_122, %dma_wait3A_123] : memref<100000x768xf32, #tpu.memory_space<hbm>> -> memref<100000x768xf32, #tpu.memory_space<hbm>>
      tpu.wait_indirect_dma semaphore(%arg9 : memref<!tpu.dma_semaphore, #tpu.memory_space<semaphore_mem>>) src(%dma_wait3A_124 : memref<100000x768xf32, #tpu.memory_space<hbm>>) dst(%arg7 : memref<32x768xf32, #tpu.memory_space<vmem>>)
      %add3A_125 = arith.addi %mul3A_2, %add3A_118 : i32
      %jit3A_126 = arith.constant 32 : i32
      %div3A_127 = arith.divsi %add3A_125, %jit3A_126 : i32
      %sign3A_128 = arith.constant 0 : i32
      %sign3A_129 = arith.cmpi sgt, %add3A_125, %sign3A_128 : i32
      %sign3A_130 = arith.extui %sign3A_129 : i1 to i32
      %sign3A_131 = arith.constant 0 : i32
      %sign3A_132 = arith.cmpi slt, %add3A_125, %sign3A_131 : i32
      %sign3A_133 = arith.extui %sign3A_132 : i1 to i32
      %sign3A_134 = arith.subi %sign3A_130, %sign3A_133 : i32
      %sign3A_135 = arith.constant 0 : i32
      %sign3A_136 = arith.cmpi sgt, %jit3A_126, %sign3A_135 : i32
      %sign3A_137 = arith.extui %sign3A_136 : i1 to i32
      %sign3A_138 = arith.constant 0 : i32
      %sign3A_139 = arith.cmpi slt, %jit3A_126, %sign3A_138 : i32
      %sign3A_140 = arith.extui %sign3A_139 : i1 to i32
      %sign3A_141 = arith.subi %sign3A_137, %sign3A_140 : i32
      %ne3A_142 = arith.cmpi ne, %sign3A_134, %sign3A_141 : i32
      %rem3A_143 = arith.remsi %add3A_125, %jit3A_126 : i32
      %ne3A_144 = arith.constant 0 : i32
      %ne3A_145 = arith.cmpi ne, %rem3A_143, %ne3A_144 : i32
      %and3A_146 = arith.andi %ne3A_142, %ne3A_145 : i1
      %sub3A_147 = arith.constant 1 : i32
      %sub3A_148 = arith.subi %div3A_127, %sub3A_147 : i32
      %select_n3A_149 = arith.select %and3A_146, %sub3A_148, %div3A_127 : i32
      %jit3A_150 = arith.constant 32 : i32
      %eq3A_151 = arith.constant 0 : i32
      %eq3A_152 = arith.cmpi eq, %jit3A_150, %eq3A_151 : i32
      %jit3A_153 = arith.constant 1 : i32
      %select_n3A_154 = arith.select %eq3A_152, %jit3A_153, %jit3A_150 : i32
      %rem3A_155 = arith.remsi %add3A_125, %select_n3A_154 : i32
      %ne3A_156 = arith.constant 0 : i32
      %ne3A_157 = arith.cmpi ne, %rem3A_155, %ne3A_156 : i32
      %lt3A_158 = arith.constant 0 : i32
      %lt3A_159 = arith.cmpi slt, %rem3A_155, %lt3A_158 : i32
      %lt3A_160 = arith.constant 0 : i32
      %lt3A_161 = arith.cmpi slt, %select_n3A_154, %lt3A_160 : i32
      %ne3A_162 = arith.xori %lt3A_159, %lt3A_161 : i1
      %and3A_163 = arith.andi %ne3A_162, %ne3A_157 : i1
      %add3A_164 = arith.addi %rem3A_155, %select_n3A_154 : i32
      %select_n3A_165 = arith.select %and3A_163, %add3A_164, %rem3A_155 : i32
      %mul3A_166 = arith.constant 32 : i32
      %mul3A_167 = arith.muli %select_n3A_165, %mul3A_166 : i32
      "tpu.region"() ({
        %run_scoped3A = tpu.sem_alloc : memref<!tpu.dma_semaphore, #tpu.memory_space<semaphore_mem>>
        %dma_start3A_175 = arith.constant 0 : i32
        %dma_start3A_176 = tpu.memref_slice %arg4[%select_n3A_149, %mul3A_167, %dma_start3A_175] : memref<25x1024x768xf32, #tpu.memory_space<hbm>> -> memref<1x32x768xf32, #tpu.memory_space<hbm>>
        %dma_start3A_177 = tpu.memref_squeeze %dma_start3A_176 : memref<1x32x768xf32, #tpu.memory_space<hbm>> -> memref<32x768xf32, #tpu.memory_space<hbm>>
        %dma_start3A_178 = arith.constant 0 : i32
        %dma_start3A_179 = tpu.memref_slice %arg4[%select_n3A_149, %mul3A_167, %dma_start3A_178] : memref<25x1024x768xf32, #tpu.memory_space<hbm>> -> memref<1x32x768xf32, #tpu.memory_space<hbm>>
        %dma_start3A_180 = tpu.memref_squeeze %dma_start3A_179 : memref<1x32x768xf32, #tpu.memory_space<hbm>> -> memref<32x768xf32, #tpu.memory_space<hbm>>
        tpu.enqueue_dma source(%arg7 : memref<32x768xf32, #tpu.memory_space<vmem>>) target(%dma_start3A_180 : memref<32x768xf32, #tpu.memory_space<hbm>>) target_semaphore(%run_scoped3A : memref<!tpu.dma_semaphore, #tpu.memory_space<semaphore_mem>>)
        %dma_wait3A_181 = arith.constant 0 : i32
        %dma_wait3A_182 = tpu.memref_slice %arg4[%select_n3A_149, %mul3A_167, %dma_wait3A_181] : memref<25x1024x768xf32, #tpu.memory_space<hbm>> -> memref<1x32x768xf32, #tpu.memory_space<hbm>>
        %dma_wait3A_183 = tpu.memref_squeeze %dma_wait3A_182 : memref<1x32x768xf32, #tpu.memory_space<hbm>> -> memref<32x768xf32, #tpu.memory_space<hbm>>
        %dma_wait3A_184 = arith.constant 0 : i32
        %dma_wait3A_185 = tpu.memref_slice %arg4[%select_n3A_149, %mul3A_167, %dma_wait3A_184] : memref<25x1024x768xf32, #tpu.memory_space<hbm>> -> memref<1x32x768xf32, #tpu.memory_space<hbm>>
        %dma_wait3A_186 = tpu.memref_squeeze %dma_wait3A_185 : memref<1x32x768xf32, #tpu.memory_space<hbm>> -> memref<32x768xf32, #tpu.memory_space<hbm>>
        tpu.wait_dma2 semaphore(%run_scoped3A : memref<!tpu.dma_semaphore, #tpu.memory_space<semaphore_mem>>) src(%arg7 : memref<32x768xf32, #tpu.memory_space<vmem>>) dst(%dma_wait3A_186 : memref<32x768xf32, #tpu.memory_space<hbm>>)
        tpu.yield
      }) : () -> ()
      %add3A_168 = arith.constant 2 : i32
      %add3A_169 = arith.addi %add3A_118, %add3A_168 : i32
      %lt3A_170 = arith.constant 25 : i32
      %lt3A_171 = arith.cmpi slt, %add3A_169, %lt3A_170 : i32
      %convert_element_type3A_172 = arith.extui %lt3A_171 : i1 to i32
      %cond3A_173 = arith.constant 0 : i32
      %cond3A_174 = arith.cmpi ne, %convert_element_type3A_172, %cond3A_173 : i32
      scf.if %cond3A_174 {
        %mul3A_175 = arith.constant 32 : i32
        %mul3A_176 = arith.muli %add3A_169, %mul3A_175 : i32
        %dma_start3A_177 = tpu.memref_slice %arg5[%mul3A_176] : memref<800xi32, #tpu.memory_space<vmem>> -> memref<32xi32, #tpu.memory_space<vmem>>
        %dma_start3A_178 = arith.constant 0 : i32
        %dma_start3A_179 = arith.constant 0 : i32
        %dma_start3A_180 = tpu.memref_slice %arg2[%dma_start3A_178, %dma_start3A_179] : memref<100000x768xf32, #tpu.memory_space<hbm>> -> memref<100000x768xf32, #tpu.memory_space<hbm>>
        tpu.enqueue_indirect_dma source(%dma_start3A_180 : memref<100000x768xf32, #tpu.memory_space<hbm>>) target(%arg7 : memref<32x768xf32, #tpu.memory_space<vmem>>) offsets(%dma_start3A_177 : memref<32xi32, #tpu.memory_space<vmem>>) semaphore(%arg9 : memref<!tpu.dma_semaphore, #tpu.memory_space<semaphore_mem>>)
      } else {
      }
    }
    %scan3A_17 = arith.constant 12 : i32
    %dma_wait3A = arith.constant 768 : i32
    %dma_wait3A_18 = tpu.memref_slice %arg5[%dma_wait3A] : memref<800xi32, #tpu.memory_space<vmem>> -> memref<32xi32, #tpu.memory_space<vmem>>
    %dma_wait3A_19 = arith.constant 0 : i32
    %dma_wait3A_20 = arith.constant 0 : i32
    %dma_wait3A_21 = tpu.memref_slice %arg2[%dma_wait3A_19, %dma_wait3A_20] : memref<100000x768xf32, #tpu.memory_space<hbm>> -> memref<100000x768xf32, #tpu.memory_space<hbm>>
    tpu.wait_indirect_dma semaphore(%arg8 : memref<!tpu.dma_semaphore, #tpu.memory_space<semaphore_mem>>) src(%dma_wait3A_21 : memref<100000x768xf32, #tpu.memory_space<hbm>>) dst(%arg6 : memref<32x768xf32, #tpu.memory_space<vmem>>)
    %add3A_22 = arith.constant 24 : i32
    %add3A_23 = arith.addi %mul3A_2, %add3A_22 : i32
    %jit3A = arith.constant 32 : i32
    %div3A = arith.divsi %add3A_23, %jit3A : i32
    %sign3A = arith.constant 0 : i32
    %sign3A_24 = arith.cmpi sgt, %add3A_23, %sign3A : i32
    %sign3A_25 = arith.extui %sign3A_24 : i1 to i32
    %sign3A_26 = arith.constant 0 : i32
    %sign3A_27 = arith.cmpi slt, %add3A_23, %sign3A_26 : i32
    %sign3A_28 = arith.extui %sign3A_27 : i1 to i32
    %sign3A_29 = arith.subi %sign3A_25, %sign3A_28 : i32
    %sign3A_30 = arith.constant 0 : i32
    %sign3A_31 = arith.cmpi sgt, %jit3A, %sign3A_30 : i32
    %sign3A_32 = arith.extui %sign3A_31 : i1 to i32
    %sign3A_33 = arith.constant 0 : i32
    %sign3A_34 = arith.cmpi slt, %jit3A, %sign3A_33 : i32
    %sign3A_35 = arith.extui %sign3A_34 : i1 to i32
    %sign3A_36 = arith.subi %sign3A_32, %sign3A_35 : i32
    %ne3A = arith.cmpi ne, %sign3A_29, %sign3A_36 : i32
    %rem3A = arith.remsi %add3A_23, %jit3A : i32
    %ne3A_37 = arith.constant 0 : i32
    %ne3A_38 = arith.cmpi ne, %rem3A, %ne3A_37 : i32
    %and3A = arith.andi %ne3A, %ne3A_38 : i1
    %sub3A = arith.constant 1 : i32
    %sub3A_39 = arith.subi %div3A, %sub3A : i32
    %select_n3A = arith.select %and3A, %sub3A_39, %div3A : i32
    %jit3A_40 = arith.constant 32 : i32
    %eq3A = arith.constant 0 : i32
    %eq3A_41 = arith.cmpi eq, %jit3A_40, %eq3A : i32
    %jit3A_42 = arith.constant 1 : i32
    %select_n3A_43 = arith.select %eq3A_41, %jit3A_42, %jit3A_40 : i32
    %rem3A_44 = arith.remsi %add3A_23, %select_n3A_43 : i32
    %ne3A_45 = arith.constant 0 : i32
    %ne3A_46 = arith.cmpi ne, %rem3A_44, %ne3A_45 : i32
    %lt3A = arith.constant 0 : i32
    %lt3A_47 = arith.cmpi slt, %rem3A_44, %lt3A : i32
    %lt3A_48 = arith.constant 0 : i32
    %lt3A_49 = arith.cmpi slt, %select_n3A_43, %lt3A_48 : i32
    %ne3A_50 = arith.xori %lt3A_47, %lt3A_49 : i1
    %and3A_51 = arith.andi %ne3A_50, %ne3A_46 : i1
    %add3A_52 = arith.addi %rem3A_44, %select_n3A_43 : i32
    %select_n3A_53 = arith.select %and3A_51, %add3A_52, %rem3A_44 : i32
    %mul3A_54 = arith.constant 32 : i32
    %mul3A_55 = arith.muli %select_n3A_53, %mul3A_54 : i32
    "tpu.region"() ({
      %run_scoped3A = tpu.sem_alloc : memref<!tpu.dma_semaphore, #tpu.memory_space<semaphore_mem>>
      %dma_start3A_56 = arith.constant 0 : i32
      %dma_start3A_57 = tpu.memref_slice %arg4[%select_n3A, %mul3A_55, %dma_start3A_56] : memref<25x1024x768xf32, #tpu.memory_space<hbm>> -> memref<1x32x768xf32, #tpu.memory_space<hbm>>
      %dma_start3A_58 = tpu.memref_squeeze %dma_start3A_57 : memref<1x32x768xf32, #tpu.memory_space<hbm>> -> memref<32x768xf32, #tpu.memory_space<hbm>>
      %dma_start3A_59 = arith.constant 0 : i32
      %dma_start3A_60 = tpu.memref_slice %arg4[%select_n3A, %mul3A_55, %dma_start3A_59] : memref<25x1024x768xf32, #tpu.memory_space<hbm>> -> memref<1x32x768xf32, #tpu.memory_space<hbm>>
      %dma_start3A_61 = tpu.memref_squeeze %dma_start3A_60 : memref<1x32x768xf32, #tpu.memory_space<hbm>> -> memref<32x768xf32, #tpu.memory_space<hbm>>
      tpu.enqueue_dma source(%arg6 : memref<32x768xf32, #tpu.memory_space<vmem>>) target(%dma_start3A_61 : memref<32x768xf32, #tpu.memory_space<hbm>>) target_semaphore(%run_scoped3A : memref<!tpu.dma_semaphore, #tpu.memory_space<semaphore_mem>>)
      %dma_wait3A_62 = arith.constant 0 : i32
      %dma_wait3A_63 = tpu.memref_slice %arg4[%select_n3A, %mul3A_55, %dma_wait3A_62] : memref<25x1024x768xf32, #tpu.memory_space<hbm>> -> memref<1x32x768xf32, #tpu.memory_space<hbm>>
      %dma_wait3A_64 = tpu.memref_squeeze %dma_wait3A_63 : memref<1x32x768xf32, #tpu.memory_space<hbm>> -> memref<32x768xf32, #tpu.memory_space<hbm>>
      %dma_wait3A_65 = arith.constant 0 : i32
      %dma_wait3A_66 = tpu.memref_slice %arg4[%select_n3A, %mul3A_55, %dma_wait3A_65] : memref<25x1024x768xf32, #tpu.memory_space<hbm>> -> memref<1x32x768xf32, #tpu.memory_space<hbm>>
      %dma_wait3A_67 = tpu.memref_squeeze %dma_wait3A_66 : memref<1x32x768xf32, #tpu.memory_space<hbm>> -> memref<32x768xf32, #tpu.memory_space<hbm>>
      tpu.wait_dma2 semaphore(%run_scoped3A : memref<!tpu.dma_semaphore, #tpu.memory_space<semaphore_mem>>) src(%arg6 : memref<32x768xf32, #tpu.memory_space<vmem>>) dst(%dma_wait3A_67 : memref<32x768xf32, #tpu.memory_space<hbm>>)
      tpu.yield
    }) : () -> ()
    return
  }
}

#map = affine_map<(d0, d1) -> (0, 0)>
#map1 = affine_map<(d0, d1) -> (0)>
#map2 = affine_map<(d0, d1) -> (0, 0, 0)>
module attributes {stable_mosaic.version = 14 : i64} {
  func.func @_sc_gather(%arg0: i32, %arg1: i32, %arg2: memref<100000x768xf32, #tpu.memory_space<hbm>>, %arg3: memref<25600xi32, #tpu.memory_space<hbm>>, %arg4: memref<25x1024x768xf32, #tpu.memory_space<hbm>>, %arg5: memref<800xi32, #tpu.memory_space<vmem>>, %arg6: memref<32x768xf32, #tpu.memory_space<vmem>>, %arg7: memref<32x768xf32, #tpu.memory_space<vmem>>, %arg8: memref<!tpu.dma_semaphore, #tpu.memory_space<semaphore_mem>>, %arg9: memref<!tpu.dma_semaphore, #tpu.memory_space<semaphore_mem>>) attributes {dimension_semantics = [#tpu.dimension_semantics<core_parallel>, #tpu.dimension_semantics<subcore_parallel>], iteration_bounds = array<i64: 2, 16>, scalar_prefetch = 0 : i64, scratch_operands = 5 : i64, tpu.core_type = #tpu.core_type<sc_vector_subcore>, window_params = [{transform_indices = #map}, {transform_indices = #map1}, {transform_indices = #map2}]} {
    %mul3A = arith.constant 2 : i32
    %mul3A_0 = arith.muli %arg1, %mul3A : i32
    %add3A = arith.addi %mul3A_0, %arg0 : i32
    %mul3A_1 = arith.constant 25 : i32
    %mul3A_2 = arith.muli %add3A, %mul3A_1 : i32
    %mul3A_3 = arith.constant 32 : i32
    %mul3A_4 = arith.muli %mul3A_2, %mul3A_3 : i32
    "tpu.region"() ({
      %run_scoped3A = tpu.sem_alloc : memref<!tpu.dma_semaphore, #tpu.memory_space<semaphore_mem>>
      %dma_start3A_56 = tpu.memref_slice %arg3[%mul3A_4] : memref<25600xi32, #tpu.memory_space<hbm>> -> memref<800xi32, #tpu.memory_space<hbm>>
      %dma_start3A_57 = tpu.memref_slice %arg3[%mul3A_4] : memref<25600xi32, #tpu.memory_space<hbm>> -> memref<800xi32, #tpu.memory_space<hbm>>
      tpu.enqueue_dma source(%dma_start3A_57 : memref<800xi32, #tpu.memory_space<hbm>>) target(%arg5 : memref<800xi32, #tpu.memory_space<vmem>>) target_semaphore(%run_scoped3A : memref<!tpu.dma_semaphore, #tpu.memory_space<semaphore_mem>>)
      %dma_wait3A_58 = tpu.memref_slice %arg3[%mul3A_4] : memref<25600xi32, #tpu.memory_space<hbm>> -> memref<800xi32, #tpu.memory_space<hbm>>
      %dma_wait3A_59 = tpu.memref_slice %arg3[%mul3A_4] : memref<25600xi32, #tpu.memory_space<hbm>> -> memref<800xi32, #tpu.memory_space<hbm>>
      tpu.wait_dma2 semaphore(%run_scoped3A : memref<!tpu.dma_semaphore, #tpu.memory_space<semaphore_mem>>) src(%dma_wait3A_59 : memref<800xi32, #tpu.memory_space<hbm>>) dst(%arg5 : memref<800xi32, #tpu.memory_space<vmem>>)
      tpu.yield
    }) : () -> ()
    %dma_start3A = arith.constant 0 : i32
    %dma_start3A_5 = tpu.memref_slice %arg5[%dma_start3A] : memref<800xi32, #tpu.memory_space<vmem>> -> memref<32xi32, #tpu.memory_space<vmem>>
    %dma_start3A_6 = arith.constant 0 : i32
    %dma_start3A_7 = arith.constant 0 : i32
    %dma_start3A_8 = tpu.memref_slice %arg2[%dma_start3A_6, %dma_start3A_7] : memref<100000x768xf32, #tpu.memory_space<hbm>> -> memref<100000x768xf32, #tpu.memory_space<hbm>>
    tpu.enqueue_indirect_dma source(%dma_start3A_8 : memref<100000x768xf32, #tpu.memory_space<hbm>>) target(%arg6 : memref<32x768xf32, #tpu.memory_space<vmem>>) offsets(%dma_start3A_5 : memref<32xi32, #tpu.memory_space<vmem>>) semaphore(%arg8 : memref<!tpu.dma_semaphore, #tpu.memory_space<semaphore_mem>>)
    %dma_start3A_9 = arith.constant 32 : i32
    %dma_start3A_10 = tpu.memref_slice %arg5[%dma_start3A_9] : memref<800xi32, #tpu.memory_space<vmem>> -> memref<32xi32, #tpu.memory_space<vmem>>
    %dma_start3A_11 = arith.constant 0 : i32
    %dma_start3A_12 = arith.constant 0 : i32
    %dma_start3A_13 = tpu.memref_slice %arg2[%dma_start3A_11, %dma_start3A_12] : memref<100000x768xf32, #tpu.memory_space<hbm>> -> memref<100000x768xf32, #tpu.memory_space<hbm>>
    tpu.enqueue_indirect_dma source(%dma_start3A_13 : memref<100000x768xf32, #tpu.memory_space<hbm>>) target(%arg7 : memref<32x768xf32, #tpu.memory_space<vmem>>) offsets(%dma_start3A_10 : memref<32xi32, #tpu.memory_space<vmem>>) semaphore(%arg9 : memref<!tpu.dma_semaphore, #tpu.memory_space<semaphore_mem>>)
    %scan3A = arith.constant 0 : i32
    %scan3A_14 = arith.constant 12 : i32
    %scan3A_15 = arith.addi %scan3A, %scan3A_14 : i32
    %scan3A_16 = arith.constant 1 : i32
    scf.for %scan3A_56 = %scan3A to %scan3A_15 step %scan3A_16  : i32 {
      %mul3A_57 = arith.constant 2 : i32
      %mul3A_58 = arith.muli %scan3A_56, %mul3A_57 : i32
      %add3A_59 = arith.constant 0 : i32
      %add3A_60 = arith.addi %mul3A_58, %add3A_59 : i32
      %mul3A_61 = arith.constant 32 : i32
      %mul3A_62 = arith.muli %add3A_60, %mul3A_61 : i32
      %dma_wait3A_63 = tpu.memref_slice %arg5[%mul3A_62] : memref<800xi32, #tpu.memory_space<vmem>> -> memref<32xi32, #tpu.memory_space<vmem>>
      %dma_wait3A_64 = arith.constant 0 : i32
      %dma_wait3A_65 = arith.constant 0 : i32
      %dma_wait3A_66 = tpu.memref_slice %arg2[%dma_wait3A_64, %dma_wait3A_65] : memref<100000x768xf32, #tpu.memory_space<hbm>> -> memref<100000x768xf32, #tpu.memory_space<hbm>>
      tpu.wait_indirect_dma semaphore(%arg8 : memref<!tpu.dma_semaphore, #tpu.memory_space<semaphore_mem>>) src(%dma_wait3A_66 : memref<100000x768xf32, #tpu.memory_space<hbm>>) dst(%arg6 : memref<32x768xf32, #tpu.memory_space<vmem>>)
      %add3A_67 = arith.addi %mul3A_2, %add3A_60 : i32
      %jit3A_68 = arith.constant 32 : i32
      %div3A_69 = arith.divsi %add3A_67, %jit3A_68 : i32
      %sign3A_70 = arith.constant 0 : i32
      %sign3A_71 = arith.cmpi sgt, %add3A_67, %sign3A_70 : i32
      %sign3A_72 = arith.extui %sign3A_71 : i1 to i32
      %sign3A_73 = arith.constant 0 : i32
      %sign3A_74 = arith.cmpi slt, %add3A_67, %sign3A_73 : i32
      %sign3A_75 = arith.extui %sign3A_74 : i1 to i32
      %sign3A_76 = arith.subi %sign3A_72, %sign3A_75 : i32
      %sign3A_77 = arith.constant 0 : i32
      %sign3A_78 = arith.cmpi sgt, %jit3A_68, %sign3A_77 : i32
      %sign3A_79 = arith.extui %sign3A_78 : i1 to i32
      %sign3A_80 = arith.constant 0 : i32
      %sign3A_81 = arith.cmpi slt, %jit3A_68, %sign3A_80 : i32
      %sign3A_82 = arith.extui %sign3A_81 : i1 to i32
      %sign3A_83 = arith.subi %sign3A_79, %sign3A_82 : i32
      %ne3A_84 = arith.cmpi ne, %sign3A_76, %sign3A_83 : i32
      %rem3A_85 = arith.remsi %add3A_67, %jit3A_68 : i32
      %ne3A_86 = arith.constant 0 : i32
      %ne3A_87 = arith.cmpi ne, %rem3A_85, %ne3A_86 : i32
      %and3A_88 = arith.andi %ne3A_84, %ne3A_87 : i1
      %sub3A_89 = arith.constant 1 : i32
      %sub3A_90 = arith.subi %div3A_69, %sub3A_89 : i32
      %select_n3A_91 = arith.select %and3A_88, %sub3A_90, %div3A_69 : i32
      %jit3A_92 = arith.constant 32 : i32
      %eq3A_93 = arith.constant 0 : i32
      %eq3A_94 = arith.cmpi eq, %jit3A_92, %eq3A_93 : i32
      %jit3A_95 = arith.constant 1 : i32
      %select_n3A_96 = arith.select %eq3A_94, %jit3A_95, %jit3A_92 : i32
      %rem3A_97 = arith.remsi %add3A_67, %select_n3A_96 : i32
      %ne3A_98 = arith.constant 0 : i32
      %ne3A_99 = arith.cmpi ne, %rem3A_97, %ne3A_98 : i32
      %lt3A_100 = arith.constant 0 : i32
      %lt3A_101 = arith.cmpi slt, %rem3A_97, %lt3A_100 : i32
      %lt3A_102 = arith.constant 0 : i32
      %lt3A_103 = arith.cmpi slt, %select_n3A_96, %lt3A_102 : i32
      %ne3A_104 = arith.xori %lt3A_101, %lt3A_103 : i1
      %and3A_105 = arith.andi %ne3A_104, %ne3A_99 : i1
      %add3A_106 = arith.addi %rem3A_97, %select_n3A_96 : i32
      %select_n3A_107 = arith.select %and3A_105, %add3A_106, %rem3A_97 : i32
      %mul3A_108 = arith.constant 32 : i32
      %mul3A_109 = arith.muli %select_n3A_107, %mul3A_108 : i32
      "tpu.region"() ({
        %run_scoped3A = tpu.sem_alloc : memref<!tpu.dma_semaphore, #tpu.memory_space<semaphore_mem>>
        %dma_start3A_175 = arith.constant 0 : i32
        %dma_start3A_176 = tpu.memref_slice %arg4[%select_n3A_91, %mul3A_109, %dma_start3A_175] : memref<25x1024x768xf32, #tpu.memory_space<hbm>> -> memref<1x32x768xf32, #tpu.memory_space<hbm>>
        %dma_start3A_177 = tpu.memref_squeeze %dma_start3A_176 : memref<1x32x768xf32, #tpu.memory_space<hbm>> -> memref<32x768xf32, #tpu.memory_space<hbm>>
        %dma_start3A_178 = arith.constant 0 : i32
        %dma_start3A_179 = tpu.memref_slice %arg4[%select_n3A_91, %mul3A_109, %dma_start3A_178] : memref<25x1024x768xf32, #tpu.memory_space<hbm>> -> memref<1x32x768xf32, #tpu.memory_space<hbm>>
        %dma_start3A_180 = tpu.memref_squeeze %dma_start3A_179 : memref<1x32x768xf32, #tpu.memory_space<hbm>> -> memref<32x768xf32, #tpu.memory_space<hbm>>
        tpu.enqueue_dma source(%arg6 : memref<32x768xf32, #tpu.memory_space<vmem>>) target(%dma_start3A_180 : memref<32x768xf32, #tpu.memory_space<hbm>>) target_semaphore(%run_scoped3A : memref<!tpu.dma_semaphore, #tpu.memory_space<semaphore_mem>>)
        %dma_wait3A_181 = arith.constant 0 : i32
        %dma_wait3A_182 = tpu.memref_slice %arg4[%select_n3A_91, %mul3A_109, %dma_wait3A_181] : memref<25x1024x768xf32, #tpu.memory_space<hbm>> -> memref<1x32x768xf32, #tpu.memory_space<hbm>>
        %dma_wait3A_183 = tpu.memref_squeeze %dma_wait3A_182 : memref<1x32x768xf32, #tpu.memory_space<hbm>> -> memref<32x768xf32, #tpu.memory_space<hbm>>
        %dma_wait3A_184 = arith.constant 0 : i32
        %dma_wait3A_185 = tpu.memref_slice %arg4[%select_n3A_91, %mul3A_109, %dma_wait3A_184] : memref<25x1024x768xf32, #tpu.memory_space<hbm>> -> memref<1x32x768xf32, #tpu.memory_space<hbm>>
        %dma_wait3A_186 = tpu.memref_squeeze %dma_wait3A_185 : memref<1x32x768xf32, #tpu.memory_space<hbm>> -> memref<32x768xf32, #tpu.memory_space<hbm>>
        tpu.wait_dma2 semaphore(%run_scoped3A : memref<!tpu.dma_semaphore, #tpu.memory_space<semaphore_mem>>) src(%arg6 : memref<32x768xf32, #tpu.memory_space<vmem>>) dst(%dma_wait3A_186 : memref<32x768xf32, #tpu.memory_space<hbm>>)
        tpu.yield
      }) : () -> ()
      %add3A_110 = arith.constant 2 : i32
      %add3A_111 = arith.addi %add3A_60, %add3A_110 : i32
      %lt3A_112 = arith.constant 25 : i32
      %lt3A_113 = arith.cmpi slt, %add3A_111, %lt3A_112 : i32
      %convert_element_type3A = arith.extui %lt3A_113 : i1 to i32
      %cond3A = arith.constant 0 : i32
      %cond3A_114 = arith.cmpi ne, %convert_element_type3A, %cond3A : i32
      scf.if %cond3A_114 {
        %mul3A_175 = arith.constant 32 : i32
        %mul3A_176 = arith.muli %add3A_111, %mul3A_175 : i32
        %dma_start3A_177 = tpu.memref_slice %arg5[%mul3A_176] : memref<800xi32, #tpu.memory_space<vmem>> -> memref<32xi32, #tpu.memory_space<vmem>>
        %dma_start3A_178 = arith.constant 0 : i32
        %dma_start3A_179 = arith.constant 0 : i32
        %dma_start3A_180 = tpu.memref_slice %arg2[%dma_start3A_178, %dma_start3A_179] : memref<100000x768xf32, #tpu.memory_space<hbm>> -> memref<100000x768xf32, #tpu.memory_space<hbm>>
        tpu.enqueue_indirect_dma source(%dma_start3A_180 : memref<100000x768xf32, #tpu.memory_space<hbm>>) target(%arg6 : memref<32x768xf32, #tpu.memory_space<vmem>>) offsets(%dma_start3A_177 : memref<32xi32, #tpu.memory_space<vmem>>) semaphore(%arg8 : memref<!tpu.dma_semaphore, #tpu.memory_space<semaphore_mem>>)
      } else {
      }
      %mul3A_115 = arith.constant 2 : i32
      %mul3A_116 = arith.muli %scan3A_56, %mul3A_115 : i32
      %add3A_117 = arith.constant 1 : i32
      %add3A_118 = arith.addi %mul3A_116, %add3A_117 : i32
      %mul3A_119 = arith.constant 32 : i32
      %mul3A_120 = arith.muli %add3A_118, %mul3A_119 : i32
      %dma_wait3A_121 = tpu.memref_slice %arg5[%mul3A_120] : memref<800xi32, #tpu.memory_space<vmem>> -> memref<32xi32, #tpu.memory_space<vmem>>
      %dma_wait3A_122 = arith.constant 0 : i32
      %dma_wait3A_123 = arith.constant 0 : i32
      %dma_wait3A_124 = tpu.memref_slice %arg2[%dma_wait3A_122, %dma_wait3A_123] : memref<100000x768xf32, #tpu.memory_space<hbm>> -> memref<100000x768xf32, #tpu.memory_space<hbm>>
      tpu.wait_indirect_dma semaphore(%arg9 : memref<!tpu.dma_semaphore, #tpu.memory_space<semaphore_mem>>) src(%dma_wait3A_124 : memref<100000x768xf32, #tpu.memory_space<hbm>>) dst(%arg7 : memref<32x768xf32, #tpu.memory_space<vmem>>)
      %add3A_125 = arith.addi %mul3A_2, %add3A_118 : i32
      %jit3A_126 = arith.constant 32 : i32
      %div3A_127 = arith.divsi %add3A_125, %jit3A_126 : i32
      %sign3A_128 = arith.constant 0 : i32
      %sign3A_129 = arith.cmpi sgt, %add3A_125, %sign3A_128 : i32
      %sign3A_130 = arith.extui %sign3A_129 : i1 to i32
      %sign3A_131 = arith.constant 0 : i32
      %sign3A_132 = arith.cmpi slt, %add3A_125, %sign3A_131 : i32
      %sign3A_133 = arith.extui %sign3A_132 : i1 to i32
      %sign3A_134 = arith.subi %sign3A_130, %sign3A_133 : i32
      %sign3A_135 = arith.constant 0 : i32
      %sign3A_136 = arith.cmpi sgt, %jit3A_126, %sign3A_135 : i32
      %sign3A_137 = arith.extui %sign3A_136 : i1 to i32
      %sign3A_138 = arith.constant 0 : i32
      %sign3A_139 = arith.cmpi slt, %jit3A_126, %sign3A_138 : i32
      %sign3A_140 = arith.extui %sign3A_139 : i1 to i32
      %sign3A_141 = arith.subi %sign3A_137, %sign3A_140 : i32
      %ne3A_142 = arith.cmpi ne, %sign3A_134, %sign3A_141 : i32
      %rem3A_143 = arith.remsi %add3A_125, %jit3A_126 : i32
      %ne3A_144 = arith.constant 0 : i32
      %ne3A_145 = arith.cmpi ne, %rem3A_143, %ne3A_144 : i32
      %and3A_146 = arith.andi %ne3A_142, %ne3A_145 : i1
      %sub3A_147 = arith.constant 1 : i32
      %sub3A_148 = arith.subi %div3A_127, %sub3A_147 : i32
      %select_n3A_149 = arith.select %and3A_146, %sub3A_148, %div3A_127 : i32
      %jit3A_150 = arith.constant 32 : i32
      %eq3A_151 = arith.constant 0 : i32
      %eq3A_152 = arith.cmpi eq, %jit3A_150, %eq3A_151 : i32
      %jit3A_153 = arith.constant 1 : i32
      %select_n3A_154 = arith.select %eq3A_152, %jit3A_153, %jit3A_150 : i32
      %rem3A_155 = arith.remsi %add3A_125, %select_n3A_154 : i32
      %ne3A_156 = arith.constant 0 : i32
      %ne3A_157 = arith.cmpi ne, %rem3A_155, %ne3A_156 : i32
      %lt3A_158 = arith.constant 0 : i32
      %lt3A_159 = arith.cmpi slt, %rem3A_155, %lt3A_158 : i32
      %lt3A_160 = arith.constant 0 : i32
      %lt3A_161 = arith.cmpi slt, %select_n3A_154, %lt3A_160 : i32
      %ne3A_162 = arith.xori %lt3A_159, %lt3A_161 : i1
      %and3A_163 = arith.andi %ne3A_162, %ne3A_157 : i1
      %add3A_164 = arith.addi %rem3A_155, %select_n3A_154 : i32
      %select_n3A_165 = arith.select %and3A_163, %add3A_164, %rem3A_155 : i32
      %mul3A_166 = arith.constant 32 : i32
      %mul3A_167 = arith.muli %select_n3A_165, %mul3A_166 : i32
      "tpu.region"() ({
        %run_scoped3A = tpu.sem_alloc : memref<!tpu.dma_semaphore, #tpu.memory_space<semaphore_mem>>
        %dma_start3A_175 = arith.constant 0 : i32
        %dma_start3A_176 = tpu.memref_slice %arg4[%select_n3A_149, %mul3A_167, %dma_start3A_175] : memref<25x1024x768xf32, #tpu.memory_space<hbm>> -> memref<1x32x768xf32, #tpu.memory_space<hbm>>
        %dma_start3A_177 = tpu.memref_squeeze %dma_start3A_176 : memref<1x32x768xf32, #tpu.memory_space<hbm>> -> memref<32x768xf32, #tpu.memory_space<hbm>>
        %dma_start3A_178 = arith.constant 0 : i32
        %dma_start3A_179 = tpu.memref_slice %arg4[%select_n3A_149, %mul3A_167, %dma_start3A_178] : memref<25x1024x768xf32, #tpu.memory_space<hbm>> -> memref<1x32x768xf32, #tpu.memory_space<hbm>>
        %dma_start3A_180 = tpu.memref_squeeze %dma_start3A_179 : memref<1x32x768xf32, #tpu.memory_space<hbm>> -> memref<32x768xf32, #tpu.memory_space<hbm>>
        tpu.enqueue_dma source(%arg7 : memref<32x768xf32, #tpu.memory_space<vmem>>) target(%dma_start3A_180 : memref<32x768xf32, #tpu.memory_space<hbm>>) target_semaphore(%run_scoped3A : memref<!tpu.dma_semaphore, #tpu.memory_space<semaphore_mem>>)
        %dma_wait3A_181 = arith.constant 0 : i32
        %dma_wait3A_182 = tpu.memref_slice %arg4[%select_n3A_149, %mul3A_167, %dma_wait3A_181] : memref<25x1024x768xf32, #tpu.memory_space<hbm>> -> memref<1x32x768xf32, #tpu.memory_space<hbm>>
        %dma_wait3A_183 = tpu.memref_squeeze %dma_wait3A_182 : memref<1x32x768xf32, #tpu.memory_space<hbm>> -> memref<32x768xf32, #tpu.memory_space<hbm>>
        %dma_wait3A_184 = arith.constant 0 : i32
        %dma_wait3A_185 = tpu.memref_slice %arg4[%select_n3A_149, %mul3A_167, %dma_wait3A_184] : memref<25x1024x768xf32, #tpu.memory_space<hbm>> -> memref<1x32x768xf32, #tpu.memory_space<hbm>>
        %dma_wait3A_186 = tpu.memref_squeeze %dma_wait3A_185 : memref<1x32x768xf32, #tpu.memory_space<hbm>> -> memref<32x768xf32, #tpu.memory_space<hbm>>
        tpu.wait_dma2 semaphore(%run_scoped3A : memref<!tpu.dma_semaphore, #tpu.memory_space<semaphore_mem>>) src(%arg7 : memref<32x768xf32, #tpu.memory_space<vmem>>) dst(%dma_wait3A_186 : memref<32x768xf32, #tpu.memory_space<hbm>>)
        tpu.yield
      }) : () -> ()
      %add3A_168 = arith.constant 2 : i32
      %add3A_169 = arith.addi %add3A_118, %add3A_168 : i32
      %lt3A_170 = arith.constant 25 : i32
      %lt3A_171 = arith.cmpi slt, %add3A_169, %lt3A_170 : i32
      %convert_element_type3A_172 = arith.extui %lt3A_171 : i1 to i32
      %cond3A_173 = arith.constant 0 : i32
      %cond3A_174 = arith.cmpi ne, %convert_element_type3A_172, %cond3A_173 : i32
      scf.if %cond3A_174 {
        %mul3A_175 = arith.constant 32 : i32
        %mul3A_176 = arith.muli %add3A_169, %mul3A_175 : i32
        %dma_start3A_177 = tpu.memref_slice %arg5[%mul3A_176] : memref<800xi32, #tpu.memory_space<vmem>> -> memref<32xi32, #tpu.memory_space<vmem>>
        %dma_start3A_178 = arith.constant 0 : i32
        %dma_start3A_179 = arith.constant 0 : i32
        %dma_start3A_180 = tpu.memref_slice %arg2[%dma_start3A_178, %dma_start3A_179] : memref<100000x768xf32, #tpu.memory_space<hbm>> -> memref<100000x768xf32, #tpu.memory_space<hbm>>
        tpu.enqueue_indirect_dma source(%dma_start3A_180 : memref<100000x768xf32, #tpu.memory_space<hbm>>) target(%arg7 : memref<32x768xf32, #tpu.memory_space<vmem>>) offsets(%dma_start3A_177 : memref<32xi32, #tpu.memory_space<vmem>>) semaphore(%arg9 : memref<!tpu.dma_semaphore, #tpu.memory_space<semaphore_mem>>)
      } else {
      }
    }
    %scan3A_17 = arith.constant 12 : i32
    %dma_wait3A = arith.constant 768 : i32
    %dma_wait3A_18 = tpu.memref_slice %arg5[%dma_wait3A] : memref<800xi32, #tpu.memory_space<vmem>> -> memref<32xi32, #tpu.memory_space<vmem>>
    %dma_wait3A_19 = arith.constant 0 : i32
    %dma_wait3A_20 = arith.constant 0 : i32
    %dma_wait3A_21 = tpu.memref_slice %arg2[%dma_wait3A_19, %dma_wait3A_20] : memref<100000x768xf32, #tpu.memory_space<hbm>> -> memref<100000x768xf32, #tpu.memory_space<hbm>>
    tpu.wait_indirect_dma semaphore(%arg8 : memref<!tpu.dma_semaphore, #tpu.memory_space<semaphore_mem>>) src(%dma_wait3A_21 : memref<100000x768xf32, #tpu.memory_space<hbm>>) dst(%arg6 : memref<32x768xf32, #tpu.memory_space<vmem>>)
    %add3A_22 = arith.constant 24 : i32
    %add3A_23 = arith.addi %mul3A_2, %add3A_22 : i32
    %jit3A = arith.constant 32 : i32
    %div3A = arith.divsi %add3A_23, %jit3A : i32
    %sign3A = arith.constant 0 : i32
    %sign3A_24 = arith.cmpi sgt, %add3A_23, %sign3A : i32
    %sign3A_25 = arith.extui %sign3A_24 : i1 to i32
    %sign3A_26 = arith.constant 0 : i32
    %sign3A_27 = arith.cmpi slt, %add3A_23, %sign3A_26 : i32
    %sign3A_28 = arith.extui %sign3A_27 : i1 to i32
    %sign3A_29 = arith.subi %sign3A_25, %sign3A_28 : i32
    %sign3A_30 = arith.constant 0 : i32
    %sign3A_31 = arith.cmpi sgt, %jit3A, %sign3A_30 : i32
    %sign3A_32 = arith.extui %sign3A_31 : i1 to i32
    %sign3A_33 = arith.constant 0 : i32
    %sign3A_34 = arith.cmpi slt, %jit3A, %sign3A_33 : i32
    %sign3A_35 = arith.extui %sign3A_34 : i1 to i32
    %sign3A_36 = arith.subi %sign3A_32, %sign3A_35 : i32
    %ne3A = arith.cmpi ne, %sign3A_29, %sign3A_36 : i32
    %rem3A = arith.remsi %add3A_23, %jit3A : i32
    %ne3A_37 = arith.constant 0 : i32
    %ne3A_38 = arith.cmpi ne, %rem3A, %ne3A_37 : i32
    %and3A = arith.andi %ne3A, %ne3A_38 : i1
    %sub3A = arith.constant 1 : i32
    %sub3A_39 = arith.subi %div3A, %sub3A : i32
    %select_n3A = arith.select %and3A, %sub3A_39, %div3A : i32
    %jit3A_40 = arith.constant 32 : i32
    %eq3A = arith.constant 0 : i32
    %eq3A_41 = arith.cmpi eq, %jit3A_40, %eq3A : i32
    %jit3A_42 = arith.constant 1 : i32
    %select_n3A_43 = arith.select %eq3A_41, %jit3A_42, %jit3A_40 : i32
    %rem3A_44 = arith.remsi %add3A_23, %select_n3A_43 : i32
    %ne3A_45 = arith.constant 0 : i32
    %ne3A_46 = arith.cmpi ne, %rem3A_44, %ne3A_45 : i32
    %lt3A = arith.constant 0 : i32
    %lt3A_47 = arith.cmpi slt, %rem3A_44, %lt3A : i32
    %lt3A_48 = arith.constant 0 : i32
    %lt3A_49 = arith.cmpi slt, %select_n3A_43, %lt3A_48 : i32
    %ne3A_50 = arith.xori %lt3A_47, %lt3A_49 : i1
    %and3A_51 = arith.andi %ne3A_50, %ne3A_46 : i1
    %add3A_52 = arith.addi %rem3A_44, %select_n3A_43 : i32
    %select_n3A_53 = arith.select %and3A_51, %add3A_52, %rem3A_44 : i32
    %mul3A_54 = arith.constant 32 : i32
    %mul3A_55 = arith.muli %select_n3A_53, %mul3A_54 : i32
    "tpu.region"() ({
      %run_scoped3A = tpu.sem_alloc : memref<!tpu.dma_semaphore, #tpu.memory_space<semaphore_mem>>
      %dma_start3A_56 = arith.constant 0 : i32
      %dma_start3A_57 = tpu.memref_slice %arg4[%select_n3A, %mul3A_55, %dma_start3A_56] : memref<25x1024x768xf32, #tpu.memory_space<hbm>> -> memref<1x32x768xf32, #tpu.memory_space<hbm>>
      %dma_start3A_58 = tpu.memref_squeeze %dma_start3A_57 : memref<1x32x768xf32, #tpu.memory_space<hbm>> -> memref<32x768xf32, #tpu.memory_space<hbm>>
      %dma_start3A_59 = arith.constant 0 : i32
      %dma_start3A_60 = tpu.memref_slice %arg4[%select_n3A, %mul3A_55, %dma_start3A_59] : memref<25x1024x768xf32, #tpu.memory_space<hbm>> -> memref<1x32x768xf32, #tpu.memory_space<hbm>>
      %dma_start3A_61 = tpu.memref_squeeze %dma_start3A_60 : memref<1x32x768xf32, #tpu.memory_space<hbm>> -> memref<32x768xf32, #tpu.memory_space<hbm>>
      tpu.enqueue_dma source(%arg6 : memref<32x768xf32, #tpu.memory_space<vmem>>) target(%dma_start3A_61 : memref<32x768xf32, #tpu.memory_space<hbm>>) target_semaphore(%run_scoped3A : memref<!tpu.dma_semaphore, #tpu.memory_space<semaphore_mem>>)
      %dma_wait3A_62 = arith.constant 0 : i32
      %dma_wait3A_63 = tpu.memref_slice %arg4[%select_n3A, %mul3A_55, %dma_wait3A_62] : memref<25x1024x768xf32, #tpu.memory_space<hbm>> -> memref<1x32x768xf32, #tpu.memory_space<hbm>>
      %dma_wait3A_64 = tpu.memref_squeeze %dma_wait3A_63 : memref<1x32x768xf32, #tpu.memory_space<hbm>> -> memref<32x768xf32, #tpu.memory_space<hbm>>
      %dma_wait3A_65 = arith.constant 0 : i32
      %dma_wait3A_66 = tpu.memref_slice %arg4[%select_n3A, %mul3A_55, %dma_wait3A_65] : memref<25x1024x768xf32, #tpu.memory_space<hbm>> -> memref<1x32x768xf32, #tpu.memory_space<hbm>>
      %dma_wait3A_67 = tpu.memref_squeeze %dma_wait3A_66 : memref<1x32x768xf32, #tpu.memory_space<hbm>> -> memref<32x768xf32, #tpu.memory_space<hbm>>
      tpu.wait_dma2 semaphore(%run_scoped3A : memref<!tpu.dma_semaphore, #tpu.memory_space<semaphore_mem>>) src(%arg6 : memref<32x768xf32, #tpu.memory_space<vmem>>) dst(%dma_wait3A_67 : memref<32x768xf32, #tpu.memory_space<hbm>>)
      tpu.yield
    }) : () -> ()
    return
  }
}

module attributes {stable_mosaic.version = 14 : i64} {
  func.func @_tc_ln(%arg0: i32, %arg1: memref<1x1024x768xf32, #tpu.memory_space<vmem>>, %arg2: memref<50x768xf32, #tpu.memory_space<vmem>>, %arg3: memref<1x768xf32, #tpu.memory_space<vmem>>, %arg4: memref<1x768xf32, #tpu.memory_space<vmem>>, %arg5: memref<1x768xf32, #tpu.memory_space<vmem>>, %arg6: memref<1x768xf32, #tpu.memory_space<vmem>>, %arg7: memref<50x1024x768xf32, #tpu.memory_space<any>>, %arg8: memref<1x1024x768xf32, #tpu.memory_space<vmem>>, %arg9: memref<50x768xf32, #tpu.memory_space<vmem>>) attributes {dimension_semantics = [#tpu.dimension_semantics<arbitrary>], iteration_bounds = array<i64: 25>, scalar_prefetch = 0 : i64, scratch_operands = 1 : i64, tpu.core_type = #tpu.core_type<tc>, window_params = [{transform_indices = @transform_0, window_bounds = array<i64: 1, 1024, 768>}, {pipeline_mode = #tpu.pipeline_mode<synchronous>, transform_indices = @transform_1, window_bounds = array<i64: 50, 768>}, {pipeline_mode = #tpu.pipeline_mode<synchronous>, transform_indices = @transform_2, window_bounds = array<i64: 1, 768>}, {pipeline_mode = #tpu.pipeline_mode<synchronous>, transform_indices = @transform_3, window_bounds = array<i64: 1, 768>}, {pipeline_mode = #tpu.pipeline_mode<synchronous>, transform_indices = @transform_4, window_bounds = array<i64: 1, 768>}, {pipeline_mode = #tpu.pipeline_mode<synchronous>, transform_indices = @transform_5, window_bounds = array<i64: 1, 768>}, {}, {transform_indices = @transform_7, window_bounds = array<i64: 1, 1024, 768>}]} {
    %eq3A = arith.constant 0 : i32
    %eq3A_0 = arith.cmpi eq, %arg0, %eq3A : i32
    %convert_element_type3A = arith.extui %eq3A_0 : i1 to i32
    %cond3A = arith.constant 0 : i32
    %cond3A_1 = arith.cmpi ne, %convert_element_type3A, %cond3A : i32
    scf.if %cond3A_1 {
      %get3A_38 = arith.constant 0 : index
      %get3A_39 = arith.constant 0 : index
      %get3A_40 = vector.load %arg2[%get3A_38, %get3A_39] : memref<50x768xf32, #tpu.memory_space<vmem>>, vector<50x768xf32>
      %reduce_sum3A_41 = arith.constant dense<0.000000e+00> : vector<50xf32>
      %reduce_sum3A_42 = vector.multi_reduction <add>, %get3A_40, %reduce_sum3A_41 [1] : vector<50x768xf32> to vector<50xf32>
      %broadcast_in_dim3A_43 = vector.shape_cast %reduce_sum3A_42 : vector<50xf32> to vector<50x1xf32>
      %div3A_44 = arith.constant 7.680000e+02 : f32
      %div3A_45 = vector.broadcast %div3A_44 : f32 to vector<50x1xf32>
      %div3A_46 = arith.divf %broadcast_in_dim3A_43, %div3A_45 : vector<50x1xf32>
      %sub3A_47 = vector.broadcast %div3A_46 : vector<50x1xf32> to vector<50x768xf32>
      %sub3A_48 = arith.subf %get3A_40, %sub3A_47 : vector<50x768xf32>
      %mul3A_49 = arith.mulf %sub3A_48, %sub3A_48 : vector<50x768xf32>
      %reduce_sum3A_50 = arith.constant dense<0.000000e+00> : vector<50xf32>
      %reduce_sum3A_51 = vector.multi_reduction <add>, %mul3A_49, %reduce_sum3A_50 [1] : vector<50x768xf32> to vector<50xf32>
      %broadcast_in_dim3A_52 = vector.shape_cast %reduce_sum3A_51 : vector<50xf32> to vector<50x1xf32>
      %div3A_53 = arith.constant 7.680000e+02 : f32
      %div3A_54 = vector.broadcast %div3A_53 : f32 to vector<50x1xf32>
      %div3A_55 = arith.divf %broadcast_in_dim3A_52, %div3A_54 : vector<50x1xf32>
      %add3A_56 = arith.constant 9.99999974E-6 : f32
      %add3A_57 = vector.broadcast %add3A_56 : f32 to vector<50x1xf32>
      %add3A_58 = arith.addf %div3A_55, %add3A_57 : vector<50x1xf32>
      %rsqrt3A_59 = math.rsqrt %add3A_58 : vector<50x1xf32>
      %mul3A_60 = vector.broadcast %rsqrt3A_59 : vector<50x1xf32> to vector<50x768xf32>
      %mul3A_61 = arith.mulf %sub3A_48, %mul3A_60 : vector<50x768xf32>
      %get3A_62 = arith.constant 0 : index
      %get3A_63 = arith.constant 0 : index
      %get3A_64 = vector.load %arg3[%get3A_62, %get3A_63] : memref<1x768xf32, #tpu.memory_space<vmem>>, vector<1x768xf32>
      %mul3A_65 = vector.broadcast %get3A_64 : vector<1x768xf32> to vector<50x768xf32>
      %mul3A_66 = arith.mulf %mul3A_61, %mul3A_65 : vector<50x768xf32>
      %get3A_67 = arith.constant 0 : index
      %get3A_68 = arith.constant 0 : index
      %get3A_69 = vector.load %arg4[%get3A_67, %get3A_68] : memref<1x768xf32, #tpu.memory_space<vmem>>, vector<1x768xf32>
      %add3A_70 = vector.broadcast %get3A_69 : vector<1x768xf32> to vector<50x768xf32>
      %add3A_71 = arith.addf %mul3A_66, %add3A_70 : vector<50x768xf32>
      %get3A_72 = arith.constant 0 : index
      %get3A_73 = arith.constant 0 : index
      %get3A_74 = vector.load %arg6[%get3A_72, %get3A_73] : memref<1x768xf32, #tpu.memory_space<vmem>>, vector<1x768xf32>
      %add3A_75 = vector.broadcast %get3A_74 : vector<1x768xf32> to vector<50x768xf32>
      %add3A_76 = arith.addf %add3A_71, %add3A_75 : vector<50x768xf32>
      %swap3A_77 = arith.constant 0 : index
      %swap3A_78 = arith.constant 0 : index
      %swap3A_79 = vector.load %arg9[%swap3A_77, %swap3A_78] : memref<50x768xf32, #tpu.memory_space<vmem>>, vector<50x768xf32>
      tpu.vector_store %arg9[%swap3A_77, %swap3A_78], %add3A_76 {strides = array<i32>} : memref<50x768xf32, #tpu.memory_space<vmem>>, vector<50x768xf32>,
    } else {
    }
    %get3A = arith.constant 0 : index
    %get3A_2 = arith.constant 0 : index
    %get3A_3 = arith.constant 0 : index
    %get3A_4 = vector.load %arg1[%get3A, %get3A_2, %get3A_3] : memref<1x1024x768xf32, #tpu.memory_space<vmem>>, vector<1x1024x768xf32>
    %reduce_sum3A = arith.constant dense<0.000000e+00> : vector<1x1024xf32>
    %reduce_sum3A_5 = vector.multi_reduction <add>, %get3A_4, %reduce_sum3A [2] : vector<1x1024x768xf32> to vector<1x1024xf32>
    %broadcast_in_dim3A = vector.shape_cast %reduce_sum3A_5 : vector<1x1024xf32> to vector<1x1024x1xf32>
    %div3A = arith.constant 7.680000e+02 : f32
    %div3A_6 = vector.broadcast %div3A : f32 to vector<1x1024x1xf32>
    %div3A_7 = arith.divf %broadcast_in_dim3A, %div3A_6 : vector<1x1024x1xf32>
    %mul3A = arith.mulf %get3A_4, %get3A_4 : vector<1x1024x768xf32>
    %reduce_sum3A_8 = arith.constant dense<0.000000e+00> : vector<1x1024xf32>
    %reduce_sum3A_9 = vector.multi_reduction <add>, %mul3A, %reduce_sum3A_8 [2] : vector<1x1024x768xf32> to vector<1x1024xf32>
    %broadcast_in_dim3A_10 = vector.shape_cast %reduce_sum3A_9 : vector<1x1024xf32> to vector<1x1024x1xf32>
    %div3A_11 = arith.constant 7.680000e+02 : f32
    %div3A_12 = vector.broadcast %div3A_11 : f32 to vector<1x1024x1xf32>
    %div3A_13 = arith.divf %broadcast_in_dim3A_10, %div3A_12 : vector<1x1024x1xf32>
    %mul3A_14 = arith.mulf %div3A_7, %div3A_7 : vector<1x1024x1xf32>
    %sub3A = arith.subf %div3A_13, %mul3A_14 : vector<1x1024x1xf32>
    %sub3A_15 = vector.broadcast %div3A_7 : vector<1x1024x1xf32> to vector<1x1024x768xf32>
    %sub3A_16 = arith.subf %get3A_4, %sub3A_15 : vector<1x1024x768xf32>
    %add3A = arith.constant 9.99999974E-6 : f32
    %add3A_17 = vector.broadcast %add3A : f32 to vector<1x1024x1xf32>
    %add3A_18 = arith.addf %sub3A, %add3A_17 : vector<1x1024x1xf32>
    %rsqrt3A = math.rsqrt %add3A_18 : vector<1x1024x1xf32>
    %mul3A_19 = vector.broadcast %rsqrt3A : vector<1x1024x1xf32> to vector<1x1024x768xf32>
    %mul3A_20 = arith.mulf %sub3A_16, %mul3A_19 : vector<1x1024x768xf32>
    %get3A_21 = arith.constant 0 : index
    %get3A_22 = arith.constant 0 : index
    %get3A_23 = vector.load %arg5[%get3A_21, %get3A_22] : memref<1x768xf32, #tpu.memory_space<vmem>>, vector<1x768xf32>
    %broadcast_in_dim3A_24 = vector.shape_cast %get3A_23 : vector<1x768xf32> to vector<1x1x768xf32>
    %mul3A_25 = vector.broadcast %broadcast_in_dim3A_24 : vector<1x1x768xf32> to vector<1x1024x768xf32>
    %mul3A_26 = arith.mulf %mul3A_20, %mul3A_25 : vector<1x1024x768xf32>
    %add3A_27 = arith.constant 25 : i32
    %add3A_28 = arith.addi %arg0, %add3A_27 : i32
    %get3A_29 = arith.index_cast %add3A_28 : i32 to index
    %get3A_30 = arith.constant 0 : index
    %get3A_31 = vector.load %arg9[%get3A_29, %get3A_30] : memref<50x768xf32, #tpu.memory_space<vmem>>, vector<1x768xf32>
    %broadcast_in_dim3A_32 = vector.shape_cast %get3A_31 : vector<1x768xf32> to vector<1x1x768xf32>
    %add3A_33 = vector.broadcast %broadcast_in_dim3A_32 : vector<1x1x768xf32> to vector<1x1024x768xf32>
    %add3A_34 = arith.addf %mul3A_26, %add3A_33 : vector<1x1024x768xf32>
    %swap3A = arith.constant 0 : index
    %swap3A_35 = arith.constant 0 : index
    %swap3A_36 = arith.constant 0 : index
    %swap3A_37 = vector.load %arg8[%swap3A, %swap3A_35, %swap3A_36] : memref<1x1024x768xf32, #tpu.memory_space<vmem>>, vector<1x1024x768xf32>
    tpu.vector_store %arg8[%swap3A, %swap3A_35, %swap3A_36], %add3A_34 {strides = array<i32>} : memref<1x1024x768xf32, #tpu.memory_space<vmem>>, vector<1x1024x768xf32>,
    return
  }
  func.func @transform_0(%arg0: i32) -> (i32, i32, i32) {
    %c0_i32 = arith.constant 0 : i32
    %c0_i32_0 = arith.constant 0 : i32
    %c0_i32_1 = arith.constant 0 : i32
    return %arg0, %c0_i32, %c0_i32_0 : i32, i32, i32
  }
  func.func @transform_1(%arg0: i32) -> (i32, i32) {
    %c0_i32 = arith.constant 0 : i32
    %c0_i32_0 = arith.constant 0 : i32
    %c0_i32_1 = arith.constant 0 : i32
    return %c0_i32, %c0_i32_0 : i32, i32
  }
  func.func @transform_2(%arg0: i32) -> (i32, i32) {
    %c0_i32 = arith.constant 0 : i32
    %c0_i32_0 = arith.constant 0 : i32
    %c0_i32_1 = arith.constant 0 : i32
    return %c0_i32, %c0_i32_0 : i32, i32
  }
  func.func @transform_3(%arg0: i32) -> (i32, i32) {
    %c0_i32 = arith.constant 0 : i32
    %c0_i32_0 = arith.constant 0 : i32
    %c0_i32_1 = arith.constant 0 : i32
    return %c0_i32, %c0_i32_0 : i32, i32
  }
  func.func @transform_4(%arg0: i32) -> (i32, i32) {
    %c0_i32 = arith.constant 0 : i32
    %c0_i32_0 = arith.constant 0 : i32
    %c0_i32_1 = arith.constant 0 : i32
    return %c0_i32, %c0_i32_0 : i32, i32
  }
  func.func @transform_5(%arg0: i32) -> (i32, i32) {
    %c0_i32 = arith.constant 0 : i32
    %c0_i32_0 = arith.constant 0 : i32
    %c0_i32_1 = arith.constant 0 : i32
    return %c0_i32, %c0_i32_0 : i32, i32
  }
  func.func @transform_7(%arg0: i32) -> (i32, i32, i32) {
    %add3A = arith.constant 25 : i32
    %add3A_0 = arith.addi %arg0, %add3A : i32
    %c0_i32 = arith.constant 0 : i32
    %c0_i32_1 = arith.constant 0 : i32
    %c0_i32_2 = arith.constant 0 : i32
    return %add3A_0, %c0_i32, %c0_i32_1 : i32, i32, i32
  }
}

module attributes {stable_mosaic.version = 14 : i64} {
  func.func @_tc_ln(%arg0: i32, %arg1: memref<1x1024x768xf32, #tpu.memory_space<vmem>>, %arg2: memref<50x768xf32, #tpu.memory_space<vmem>>, %arg3: memref<1x768xf32, #tpu.memory_space<vmem>>, %arg4: memref<1x768xf32, #tpu.memory_space<vmem>>, %arg5: memref<1x768xf32, #tpu.memory_space<vmem>>, %arg6: memref<1x768xf32, #tpu.memory_space<vmem>>, %arg7: memref<1x1024x768xf32, #tpu.memory_space<vmem>>, %arg8: memref<50x768xf32, #tpu.memory_space<vmem>>) attributes {dimension_semantics = [#tpu.dimension_semantics<arbitrary>], iteration_bounds = array<i64: 25>, scalar_prefetch = 0 : i64, scratch_operands = 1 : i64, tpu.core_type = #tpu.core_type<tc>, window_params = [{transform_indices = @transform_0, window_bounds = array<i64: 1, 1024, 768>}, {pipeline_mode = #tpu.pipeline_mode<synchronous>, transform_indices = @transform_1, window_bounds = array<i64: 50, 768>}, {pipeline_mode = #tpu.pipeline_mode<synchronous>, transform_indices = @transform_2, window_bounds = array<i64: 1, 768>}, {pipeline_mode = #tpu.pipeline_mode<synchronous>, transform_indices = @transform_3, window_bounds = array<i64: 1, 768>}, {pipeline_mode = #tpu.pipeline_mode<synchronous>, transform_indices = @transform_4, window_bounds = array<i64: 1, 768>}, {pipeline_mode = #tpu.pipeline_mode<synchronous>, transform_indices = @transform_5, window_bounds = array<i64: 1, 768>}, {transform_indices = @transform_6, window_bounds = array<i64: 1, 1024, 768>}]} {
    %eq3A = arith.constant 0 : i32
    %eq3A_0 = arith.cmpi eq, %arg0, %eq3A : i32
    %convert_element_type3A = arith.extui %eq3A_0 : i1 to i32
    %cond3A = arith.constant 0 : i32
    %cond3A_1 = arith.cmpi ne, %convert_element_type3A, %cond3A : i32
    scf.if %cond3A_1 {
      %get3A_38 = arith.constant 0 : index
      %get3A_39 = arith.constant 0 : index
      %get3A_40 = vector.load %arg2[%get3A_38, %get3A_39] : memref<50x768xf32, #tpu.memory_space<vmem>>, vector<50x768xf32>
      %reduce_sum3A_41 = arith.constant dense<0.000000e+00> : vector<50xf32>
      %reduce_sum3A_42 = vector.multi_reduction <add>, %get3A_40, %reduce_sum3A_41 [1] : vector<50x768xf32> to vector<50xf32>
      %broadcast_in_dim3A_43 = vector.shape_cast %reduce_sum3A_42 : vector<50xf32> to vector<50x1xf32>
      %div3A_44 = arith.constant 7.680000e+02 : f32
      %div3A_45 = vector.broadcast %div3A_44 : f32 to vector<50x1xf32>
      %div3A_46 = arith.divf %broadcast_in_dim3A_43, %div3A_45 : vector<50x1xf32>
      %sub3A_47 = vector.broadcast %div3A_46 : vector<50x1xf32> to vector<50x768xf32>
      %sub3A_48 = arith.subf %get3A_40, %sub3A_47 : vector<50x768xf32>
      %mul3A_49 = arith.mulf %sub3A_48, %sub3A_48 : vector<50x768xf32>
      %reduce_sum3A_50 = arith.constant dense<0.000000e+00> : vector<50xf32>
      %reduce_sum3A_51 = vector.multi_reduction <add>, %mul3A_49, %reduce_sum3A_50 [1] : vector<50x768xf32> to vector<50xf32>
      %broadcast_in_dim3A_52 = vector.shape_cast %reduce_sum3A_51 : vector<50xf32> to vector<50x1xf32>
      %div3A_53 = arith.constant 7.680000e+02 : f32
      %div3A_54 = vector.broadcast %div3A_53 : f32 to vector<50x1xf32>
      %div3A_55 = arith.divf %broadcast_in_dim3A_52, %div3A_54 : vector<50x1xf32>
      %add3A_56 = arith.constant 9.99999974E-6 : f32
      %add3A_57 = vector.broadcast %add3A_56 : f32 to vector<50x1xf32>
      %add3A_58 = arith.addf %div3A_55, %add3A_57 : vector<50x1xf32>
      %rsqrt3A_59 = math.rsqrt %add3A_58 : vector<50x1xf32>
      %mul3A_60 = vector.broadcast %rsqrt3A_59 : vector<50x1xf32> to vector<50x768xf32>
      %mul3A_61 = arith.mulf %sub3A_48, %mul3A_60 : vector<50x768xf32>
      %get3A_62 = arith.constant 0 : index
      %get3A_63 = arith.constant 0 : index
      %get3A_64 = vector.load %arg3[%get3A_62, %get3A_63] : memref<1x768xf32, #tpu.memory_space<vmem>>, vector<1x768xf32>
      %mul3A_65 = vector.broadcast %get3A_64 : vector<1x768xf32> to vector<50x768xf32>
      %mul3A_66 = arith.mulf %mul3A_61, %mul3A_65 : vector<50x768xf32>
      %get3A_67 = arith.constant 0 : index
      %get3A_68 = arith.constant 0 : index
      %get3A_69 = vector.load %arg4[%get3A_67, %get3A_68] : memref<1x768xf32, #tpu.memory_space<vmem>>, vector<1x768xf32>
      %add3A_70 = vector.broadcast %get3A_69 : vector<1x768xf32> to vector<50x768xf32>
      %add3A_71 = arith.addf %mul3A_66, %add3A_70 : vector<50x768xf32>
      %get3A_72 = arith.constant 0 : index
      %get3A_73 = arith.constant 0 : index
      %get3A_74 = vector.load %arg6[%get3A_72, %get3A_73] : memref<1x768xf32, #tpu.memory_space<vmem>>, vector<1x768xf32>
      %add3A_75 = vector.broadcast %get3A_74 : vector<1x768xf32> to vector<50x768xf32>
      %add3A_76 = arith.addf %add3A_71, %add3A_75 : vector<50x768xf32>
      %swap3A_77 = arith.constant 0 : index
      %swap3A_78 = arith.constant 0 : index
      %swap3A_79 = vector.load %arg8[%swap3A_77, %swap3A_78] : memref<50x768xf32, #tpu.memory_space<vmem>>, vector<50x768xf32>
      tpu.vector_store %arg8[%swap3A_77, %swap3A_78], %add3A_76 {strides = array<i32>} : memref<50x768xf32, #tpu.memory_space<vmem>>, vector<50x768xf32>,
    } else {
    }
    %get3A = arith.constant 0 : index
    %get3A_2 = arith.constant 0 : index
    %get3A_3 = arith.constant 0 : index
    %get3A_4 = vector.load %arg1[%get3A, %get3A_2, %get3A_3] : memref<1x1024x768xf32, #tpu.memory_space<vmem>>, vector<1x1024x768xf32>
    %reduce_sum3A = arith.constant dense<0.000000e+00> : vector<1x1024xf32>
    %reduce_sum3A_5 = vector.multi_reduction <add>, %get3A_4, %reduce_sum3A [2] : vector<1x1024x768xf32> to vector<1x1024xf32>
    %broadcast_in_dim3A = vector.shape_cast %reduce_sum3A_5 : vector<1x1024xf32> to vector<1x1024x1xf32>
    %div3A = arith.constant 7.680000e+02 : f32
    %div3A_6 = vector.broadcast %div3A : f32 to vector<1x1024x1xf32>
    %div3A_7 = arith.divf %broadcast_in_dim3A, %div3A_6 : vector<1x1024x1xf32>
    %mul3A = arith.mulf %get3A_4, %get3A_4 : vector<1x1024x768xf32>
    %reduce_sum3A_8 = arith.constant dense<0.000000e+00> : vector<1x1024xf32>
    %reduce_sum3A_9 = vector.multi_reduction <add>, %mul3A, %reduce_sum3A_8 [2] : vector<1x1024x768xf32> to vector<1x1024xf32>
    %broadcast_in_dim3A_10 = vector.shape_cast %reduce_sum3A_9 : vector<1x1024xf32> to vector<1x1024x1xf32>
    %div3A_11 = arith.constant 7.680000e+02 : f32
    %div3A_12 = vector.broadcast %div3A_11 : f32 to vector<1x1024x1xf32>
    %div3A_13 = arith.divf %broadcast_in_dim3A_10, %div3A_12 : vector<1x1024x1xf32>
    %mul3A_14 = arith.mulf %div3A_7, %div3A_7 : vector<1x1024x1xf32>
    %sub3A = arith.subf %div3A_13, %mul3A_14 : vector<1x1024x1xf32>
    %sub3A_15 = vector.broadcast %div3A_7 : vector<1x1024x1xf32> to vector<1x1024x768xf32>
    %sub3A_16 = arith.subf %get3A_4, %sub3A_15 : vector<1x1024x768xf32>
    %add3A = arith.constant 9.99999974E-6 : f32
    %add3A_17 = vector.broadcast %add3A : f32 to vector<1x1024x1xf32>
    %add3A_18 = arith.addf %sub3A, %add3A_17 : vector<1x1024x1xf32>
    %rsqrt3A = math.rsqrt %add3A_18 : vector<1x1024x1xf32>
    %mul3A_19 = vector.broadcast %rsqrt3A : vector<1x1024x1xf32> to vector<1x1024x768xf32>
    %mul3A_20 = arith.mulf %sub3A_16, %mul3A_19 : vector<1x1024x768xf32>
    %get3A_21 = arith.constant 0 : index
    %get3A_22 = arith.constant 0 : index
    %get3A_23 = vector.load %arg5[%get3A_21, %get3A_22] : memref<1x768xf32, #tpu.memory_space<vmem>>, vector<1x768xf32>
    %broadcast_in_dim3A_24 = vector.shape_cast %get3A_23 : vector<1x768xf32> to vector<1x1x768xf32>
    %mul3A_25 = vector.broadcast %broadcast_in_dim3A_24 : vector<1x1x768xf32> to vector<1x1024x768xf32>
    %mul3A_26 = arith.mulf %mul3A_20, %mul3A_25 : vector<1x1024x768xf32>
    %add3A_27 = arith.constant 0 : i32
    %add3A_28 = arith.addi %arg0, %add3A_27 : i32
    %get3A_29 = arith.index_cast %add3A_28 : i32 to index
    %get3A_30 = arith.constant 0 : index
    %get3A_31 = vector.load %arg8[%get3A_29, %get3A_30] : memref<50x768xf32, #tpu.memory_space<vmem>>, vector<1x768xf32>
    %broadcast_in_dim3A_32 = vector.shape_cast %get3A_31 : vector<1x768xf32> to vector<1x1x768xf32>
    %add3A_33 = vector.broadcast %broadcast_in_dim3A_32 : vector<1x1x768xf32> to vector<1x1024x768xf32>
    %add3A_34 = arith.addf %mul3A_26, %add3A_33 : vector<1x1024x768xf32>
    %swap3A = arith.constant 0 : index
    %swap3A_35 = arith.constant 0 : index
    %swap3A_36 = arith.constant 0 : index
    %swap3A_37 = vector.load %arg7[%swap3A, %swap3A_35, %swap3A_36] : memref<1x1024x768xf32, #tpu.memory_space<vmem>>, vector<1x1024x768xf32>
    tpu.vector_store %arg7[%swap3A, %swap3A_35, %swap3A_36], %add3A_34 {strides = array<i32>} : memref<1x1024x768xf32, #tpu.memory_space<vmem>>, vector<1x1024x768xf32>,
    return
  }
  func.func @transform_0(%arg0: i32) -> (i32, i32, i32) {
    %c0_i32 = arith.constant 0 : i32
    %c0_i32_0 = arith.constant 0 : i32
    %c0_i32_1 = arith.constant 0 : i32
    return %arg0, %c0_i32, %c0_i32_0 : i32, i32, i32
  }
  func.func @transform_1(%arg0: i32) -> (i32, i32) {
    %c0_i32 = arith.constant 0 : i32
    %c0_i32_0 = arith.constant 0 : i32
    %c0_i32_1 = arith.constant 0 : i32
    return %c0_i32, %c0_i32_0 : i32, i32
  }
  func.func @transform_2(%arg0: i32) -> (i32, i32) {
    %c0_i32 = arith.constant 0 : i32
    %c0_i32_0 = arith.constant 0 : i32
    %c0_i32_1 = arith.constant 0 : i32
    return %c0_i32, %c0_i32_0 : i32, i32
  }
  func.func @transform_3(%arg0: i32) -> (i32, i32) {
    %c0_i32 = arith.constant 0 : i32
    %c0_i32_0 = arith.constant 0 : i32
    %c0_i32_1 = arith.constant 0 : i32
    return %c0_i32, %c0_i32_0 : i32, i32
  }
  func.func @transform_4(%arg0: i32) -> (i32, i32) {
    %c0_i32 = arith.constant 0 : i32
    %c0_i32_0 = arith.constant 0 : i32
    %c0_i32_1 = arith.constant 0 : i32
    return %c0_i32, %c0_i32_0 : i32, i32
  }
  func.func @transform_5(%arg0: i32) -> (i32, i32) {
    %c0_i32 = arith.constant 0 : i32
    %c0_i32_0 = arith.constant 0 : i32
    %c0_i32_1 = arith.constant 0 : i32
    return %c0_i32, %c0_i32_0 : i32, i32
  }
  func.func @transform_6(%arg0: i32) -> (i32, i32, i32) {
    %c0_i32 = arith.constant 0 : i32
    %c0_i32_0 = arith.constant 0 : i32
    %c0_i32_1 = arith.constant 0 : i32
    return %arg0, %c0_i32, %c0_i32_0 : i32, i32, i32
  }
}

</mosaic_0001>

<sc_bundles>
// kernel: _prev_embedding.6.cloned.1.call-start
scs
__scs_entry_jumppad:
0x0: {  	(pc) =	sbr.rel $0x88, $3  }
0x1: {  	(tag) =	ssettag $0x0;
	lr =	simm.s32 $0x1  }
0x2: {  	[smem:$0x3F9A] =	sst lr;
	_ =	strace $0xD0000000  }
0x3: {  	_ = 	snop  }
0x4: {  	_ = 	snop  }
0x5: {  	_ = 	snop  }
0x6: {  	_ = 	snop  }
0x7: {  	_ = 	snop  }
__scs_overlays_trampoline_lowered:
0x8: {  	[smem:$0x3FA9] =	sst s0  }
0x9: {  	[smem:$0x3FAA] =	sst s1  }
0xa: {  	[smem:$0x3FAB] =	sst s2  }
0xb: {  	[smem:$0x3FAC] =	sst s3  }
0xc: {  	[smem:$0x3FAD] =	sst s4  }
0xd: {  	[smem:$0x3FAE] =	sst s5  }
0xe: {  	[smem:$0x3FAF] =	sst s6  }
0xf: {  	[smem:$0x3FB0] =	sst s7  }
0x10: {  	[smem:$0x3FB1] =	sst s8  }
0x11: {  	[smem:$0x3FB2] =	sst s9;
	s0 =	simm.s32 @!p0 $0x0  }
0x12: {  	s1 =	sld [smem:$0x3F98];
	s0 =	simm.s32 @p0 $0x1  }
0x13: {  	[smem:$0x3FB3] =	sst s0;
	s0 =	simm.s32 @!p1 $0x0  }
0x14: {  	s2 =	sld [smem:$0x3F97];
	s0 =	simm.s32 @p1 $0x1  }
0x15: {  	[smem:$0x3FB4] =	sst s0;
	s0 =	simm.s32 @!p2 $0x0  }
0x16: {  	s3 =	sld [smem:$0x3FDB];
	s0 =	simm.s32 @p2 $0x1  }
0x17: {  	s4 =	simm.s32 $0x1BF5;
	[smem:$0x3FB6] =	sst s0  }
0x18: {  	s0 =	sld [smem:$0x3F99];
	_ =	swait.ge [sflag:s4], $0x0  }
0x19: {  	s7 =	sld [smem:$0x3F9A]  }
0x1a: {  	s8 =	sadd.s32 $0xFFFFE003, lr  }
0x1b: {  	s9 =	sadd.s32 $0xFFFFFEF7, lr;
	s5 =	simm.s32 $0xFFFFFFFF;
	p2 =	slt.u32 s8, $0xFFFFF086  }
0x1c: {  	p1 =	slt.u32 s9, $0xF7A;
	s5 =	simm.s32 @!p2 $0x0  }
0x1d: {  	s5 =	simm.s32 @p1 $0x1;
	p0 =	seq.s32 s7, s2  }
0x1e: {  	s7 =	smul.u32 @!p0 $0xF7A, s2;
	p2 =	seq.s32 @!p0 s5, $0x0  }
0x1f: {  	s9 =	smul.u32 $0xF7A, s1;
	s8 =	simm.s32 @!p0 $0x1BF5;
	p2 =	por !p2, p0  }
0x20: {  	[sflag:s8] =	ssyncset.s32 @!p0 $0xFFFFF086;
	s6 =	sadd.s32 @!p0 s3, s7;
	s7 =	simm.s32 @!p0 $0x108  }
0x21: {  	s3 =	sadd.s32 s3, s9;
	s6 =	sadd.s32 @!p0 $0x88, s6;
	s7 =	simm.s32 @p2 $0x1082  }
0x22: {  	[simem:s7], [sflag:s8] =	dma.local @!p0 [hbm:s6], $0xF7A  }
0x23: {  	s9 =	sor.u32 $0xD0000000, s2;
	s6 =	simm.s32 $0x108;
	_ =	swait.ge @!p0 [sflag:s8], $0x0  }
0x24: {  	s3 =	sadd.s32 $0x88, s3;
	s6 =	simm.s32 @!p1 $0x1082;
	[sflag:s4] =	ssyncset.s32 $0xFFFFF086  }
0x25: {  	[simem:s6], [sflag:s4] =	dma.local [hbm:s3], $0xF7A  }
0x26: {  	[smem:$0x3F9A] =	sst s1;
	(tag) =	ssettag s2;
	_ =	strace s9  }
0x27: {  	s1 =	sld [smem:$0x3FAA]  }
0x28: {  	s2 =	sld [smem:$0x3FAB]  }
0x29: {  	s4 =	sld [smem:$0x3FAD]  }
0x2a: {  	p0 =	seq.s32 s5, $0x0;
	s5 =	sld [smem:$0x3FAE]  }
0x2b: {  	s6 =	sld [smem:$0x3FAF]  }
0x2c: {  	s7 =	sld [smem:$0x3FB0]  }
0x2d: {  	s3 =	simm.s32 $0x108;
	s8 =	sld [smem:$0x3FB1]  }
0x2e: {  	s3 =	simm.s32 @!p0 $0x1082;
	s9 =	sld [smem:$0x3FB2]  }
0x2f: {  	lr =	sadd.s32 s0, s3;
	s0 =	sld [smem:$0x3FA9]  }
0x30: {  	s3 =	sld [smem:$0x3FAC]  }
0x31: {  	[smem:$0x3FB5] =	sst s10  }
0x32: {  	s10 =	sld [smem:$0x3FB3];
	_ =	sdelay $0x3  }
0x33: {  	p0 =	seq.s32 s10, $0x1;
	s10 =	sld [smem:$0x3FB5];
	_ =	sdelay $0x3  }
0x34: {  	[smem:$0x3FB5] =	sst s10  }
0x35: {  	s10 =	sld [smem:$0x3FB4];
	_ =	sdelay $0x3  }
0x36: {  	p1 =	seq.s32 s10, $0x1;
	s10 =	sld [smem:$0x3FB5];
	_ =	sdelay $0x3  }
0x37: {  	[smem:$0x3FB5] =	sst s10  }
0x38: {  	s10 =	sld [smem:$0x3FB6]  }
0x39: {  	_ = 	snop;
	(pc) =	sbr.ind lr, $3  }
0x3a: {  	_ = 	snop  }
0x3b: {  	_ = 	snop  }
0x3c: {  	p2 =	seq.s32 s10, $0x1;
	s10 =	sld [smem:$0x3FB5]  }
0x3d: {  	_ =	shalt  }
0x3e: {  	_ =	shalt  }
0x3f: {  	_ =	shalt  }
0x40: {  	_ =	shalt  }
0x41: {  	_ =	shalt  }
0x42: {  	_ =	shalt  }
0x43: {  	_ =	shalt  }
0x44: {  	_ =	shalt  }
0x45: {  	_ =	shalt  }
0x46: {  	_ =	shalt  }
0x47: {  	_ =	shalt  }
0x48: {  	_ =	shalt  }
0x49: {  	_ =	shalt  }
0x4a: {  	_ =	shalt  }
0x4b: {  	_ =	shalt  }
0x4c: {  	_ =	shalt  }
0x4d: {  	_ =	shalt  }
0x4e: {  	_ =	shalt  }
0x4f: {  	_ =	shalt  }
0x50: {  	_ =	shalt  }
0x51: {  	_ =	shalt  }
0x52: {  	_ =	shalt  }
0x53: {  	_ =	shalt  }
0x54: {  	_ =	shalt  }
0x55: {  	_ =	shalt  }
0x56: {  	_ =	shalt  }
0x57: {  	_ =	shalt  }
0x58: {  	_ =	shalt  }
0x59: {  	_ =	shalt  }
0x5a: {  	_ =	shalt  }
0x5b: {  	_ =	shalt  }
0x5c: {  	_ =	shalt  }
0x5d: {  	_ =	shalt  }
0x5e: {  	_ =	shalt  }
0x5f: {  	_ =	shalt  }
0x60: {  	_ =	shalt  }
0x61: {  	_ =	shalt  }
0x62: {  	_ =	shalt  }
0x63: {  	_ =	shalt  }
0x64: {  	_ =	shalt  }
0x65: {  	_ =	shalt  }
0x66: {  	_ =	shalt  }
0x67: {  	_ =	shalt  }
0x68: {  	_ =	shalt  }
0x69: {  	_ =	shalt  }
0x6a: {  	_ =	shalt  }
0x6b: {  	_ =	shalt  }
0x6c: {  	_ =	shalt  }
0x6d: {  	_ =	shalt  }
0x6e: {  	_ =	shalt  }
0x6f: {  	_ =	shalt  }
0x70: {  	_ =	shalt  }
0x71: {  	_ =	shalt  }
0x72: {  	_ =	shalt  }
0x73: {  	_ =	shalt  }
0x74: {  	_ =	shalt  }
0x75: {  	_ =	shalt  }
0x76: {  	_ =	shalt  }
0x77: {  	_ =	shalt  }
0x78: {  	_ =	shalt  }
0x79: {  	_ =	shalt  }
0x7a: {  	_ =	shalt  }
0x7b: {  	_ =	shalt  }
0x7c: {  	_ =	shalt  }
0x7d: {  	_ =	shalt  }
0x7e: {  	_ =	shalt  }
0x7f: {  	_ =	shalt  }
0x80: {  	_ =	shalt  }
0x81: {  	_ =	shalt  }
0x82: {  	_ =	shalt  }
0x83: {  	_ =	shalt  }
0x84: {  	_ =	shalt  }
0x85: {  	_ =	shalt  }
0x86: {  	_ =	shalt  }
0x87: {  	_ =	shalt  }
.Lfunc_end0:
.L_simem_size_0:
called_computation_lowered:
.L_overlay_start_0:
0x88: {  	s2 =	sld [smem:$0x3FD9]  }
0x89: {  	s3 =	sld [smem:$0x3FFE];
	_ =	sdelay $0x1  }
0x8a: {  	s1 =	srdreg.scid  }
0x8b: {  	s0 =	sand.u32 $0x1, s1  }
0x8c: {  	s17 =	sshll.u32 s0, $0xA;
	s2 =	sadd.s32 s3, s2  }
0x8d: {  	s2 =	sadd.s32 s2, s17  }
0x8e: {  	[smem:$0x3FC1] =	sst s2  }
0x8f: {  	_ = 	snop  }
0x90: {  	s2 =	sld [smem:$0x3FC9]  }
0x91: {  	s18 =	sld [smem:$0x3FD0];
	(tm) =	ssettm $0x1  }
0x92: {  	s4 =	sld [smem:$0x3FFB];
	_ =	sdelay $0x3  }
0x93: {  	_ =	strace s4  }
0x94: {  	s4 =	sld [smem:$0x3FFC];
	_ =	sdelay $0x3  }
0x95: {  	_ =	strace s4  }
0x96: {  	s4 =	sld [smem:$0x3FFD];
	_ =	sdelay $0x3  }
0x97: {  	_ =	strace s4  }
0x98: {  	_ =	strace $0x8FFFFFFF  }
0x99: {  	s19 =	sld [smem:$0x3FDB];
	_ =	sdelay $0x1  }
0x9a: {  	s5 =	simm.s32 $_scs_section_size  }
0x9b: {  	s6 =	simm.s32 $_size__tile_overlayer_lowered;
	s7 =	simm.s32 $_tile_overlayer_lowered  }
0x9c: {  	s22 =	simm.s32 $0x1BFF;
	s21 =	sshll.u32 s7, $0x1;
	s4 =	sadd.s32 s5, s19  }
0x9d: {  	s8 =	simm.s32 $0x0;
	s20 =	sshll.u32 s6, $0x1;
	s6 =	sadd.s32 s21, s4  }
0x9e: {  	[timem:s8], [sflag:s22] =	dma.local [hbm:s6], s20  }
0x9f: {  	_ =	swait.ge [sflag:s22], s20  }
0xa0: {  	s5 =	ssub.s32 $0x0, s20;
	[sflag:s22] =	ssyncset.done $0x0  }
0xa1: {  	[sflag:s22] =	ssyncadd.s32 s5;
	_ =	sdelay $0x1  }
0xa2: {  	s23 =	simm.s32 $0x1B8B  }
0xa3: {  	_ =	swait.ge [sflag:s23], $0x1  }
0xa4: {  	[sflag:s23] =	ssyncset.done $0x0  }
0xa5: {  	s25 =	simm.s32 $0x1B8E;
	s24 =	sld [smem:$0x3FFE];
	[sflag:s23] =	ssyncadd.s32 $0xFFFFFFFF  }
0xa6: {  	s26 =	simm.s32 $execute0_lowered;
	[smem:$0x3FD2] =	sst s25  }
0xa7: {  	s6 =	sshll.u32 s26, $0x1;
	_ =	strace $0x80000046;
	[dreg:$0x1] =	wrdreg $0xFFFFFFFF  }
0xa8: {  	s28 =	simm.s32 $_size_execute0_lowered;
	s4 =	sadd.s32 s4, s6;
	[dreg:$0x0] =	wrdreg $0x0  }
0xa9: {  	s6 =	sshll.u32 s28, $0x1;
	[dreg:$0x2] =	wrdreg s4  }
0xaa: {  	[dreg:$0x3] =	wrdreg s6  }
0xab: {  	[dreg:$0x4] =	wrdreg $0xC0  }
0xac: {  	_ =	task [dreg:s8], $0x5FFFF  }
0xad: {  	[dreg:$0x1] =	wrdreg $0xFFFFFFFF  }
0xae: {  	[dreg:$0x0] =	wrdreg $0x60  }
0xaf: {  	[dreg:$0x2] =	wrdreg s2  }
0xb0: {  	[dreg:$0x3] =	wrdreg s18  }
0xb1: {  	[dreg:$0x4] =	wrdreg s24  }
0xb2: {  	[dreg:$0x5] =	wrdreg $0x9  }
0xb3: {  	_ =	task.clear_ibuf [dreg:s8], $0x6FFFF;
	_ =	strace $0x90000046  }
0xb4: {  	s29 =	simm.s32 $0x9;
	_ =	strace $0x80000048  }
0xb5: {  	_ =	swait.ge [sflag:s29], $0x1  }
0xb6: {  	[sflag:s29] =	ssyncadd.s32 $0xFFFFFFFF  }
0xb7: {  	_ =	strace $0x90000048  }
0xb8: {  	_ =	sfence  }
0xb9: {  	s30 =	sld [smem:$0x0];
	_ =	sdelay $0x2  }
0xba: {  	s31 =	sshll.u32 s1, $0xD;
	s1 =	sshrl.u32 s1, $0x2  }
0xbb: {  	s3 =	sand.u32 $0x4000, s31;
	s1 =	sadd.s32 s1, s30  }
0xbc: {  	s0 =	sor.u32 s3, s0;
	s1 =	sshll.u32 s1, $0x11  }
0xbd: {  	s0 =	sor.u32 s1, s0  }
0xbe: {  	s0 =	sadd.s32 $0x8F2B, s0  }
0xbf: {  	[sflag:s0] =	ssyncadd.remote.s32 $0x1  }
0xc0: {  	_ =	sfence.sel $0xFFFF  }
0xc1: {  	[dreg:$0x0] =	wrdreg $0xFFFFFFFF;
	(pc) =	sbr.abs _section_cstart, $3  }
0xc2: {  	[dreg:$0x1] =	wrdreg $0xFFFFFFFF  }
0xc3: {  	_ =	task.clear_ibuf [dreg:s8], $0x2FFFF;
	_ =	strace $0x9FFFFFFF  }
0xc4: {  	(tm) =	ssettm $0x7FFFFFFF  }
0xc5: {  	_ =	shalt  }
tec
execute0_lowered:
.L_overlay_start_1:
0x0: {  	(tag) =	ssettag $0x1  }
0x1: {  	s2 =	rddreg [dreg:$0x0]  }
0x2: {  	s0 =	srdreg.scid;
	s5 =	rddreg [dreg:$0x1]  }
0x3: {  	s11 =	stileid.u32;
	s6 =	rddreg [dreg:$0x2]  }
0x4: {  	s3 =	simm.s32 $0x0;
	s12 =	simm.s32 $0x3;
	s13 =	simm.s32 $0x380  }
0x5: {  	s28 =	simm.s32 $0x7380;
	s29 =	simm.s32 $0x7B80;
	s30 =	simm.s32 $0x8380  }
0x6: {  	s31 =	simm.s32 $0x8B80;
	s14 =	simm.s32 $0x1;
	s10 =	smul.u32 $0xC8, s11  }
0x7: {  	s15 =	simm.s32 $0x2;
	s0 =	sand.u32 $0x1, s0;
	s22 =	smul.u32 $0x32, s11  }
0x8: {  	s17 =	simm.s32 $0x0;
	s1 =	sshll.u32 s11, $0x1;
	s24 =	smul.u32 $0x19, s0  }
0x9: {  	s1 =	sor.u32 s0, s1;
	s8 =	ssub.s32 $0x2, s0;
	s0 =	smul.u32 $0x64, s0  }
0xa: {  	[smem:$0x7FF] =	sst s3;
	s11 =	simm.s32 $0xBB80;
	s4 =	smul.u32 $0x19, s1  }
0xb: {  	_ =	strace $0x80000047;
	s1 =	smul.u32 $0x64, s1;
	s21 =	sshrl.u32 s8, $0x1  }
0xc: {  	s8 =	ssub.s32 s8, s21;
	s10 =	sadd.s32 s0, s10;
	s21 =	simm.s32 $0x4380  }
0xd: {  	s0 =	simm.s32 $0x9B80;
	s4 =	sadd.s32 $0x18, s4;
	s1 =	sadd.s32 s5, s1  }
0xe: {  	s25 =	smax.u32 s8, $0x1;
	s8 =	simm.s32 $0xAB80;
	[dreg:$0x4] =	wrdreg s1  }
0xf: {  	s7 =	sshrl.u32 s4, $0x5;
	s4 =	sshll.u32 s4, $0x2;
	[dreg:$0x6] =	wrdreg s25  }
0x10: {  	s1 =	sadd.s32 s24, s22;
	s7 =	smul.u32 $0xC0000, s7;
	s4 =	sand.u32 $0x7C, s4  }
0x11: {  	s22 =	simm.s32 $0x4B80;
	s24 =	simm.s32 $0x5B80;
	s9 =	smul.u32 $0x1800, s4  }
.Ltmp0:
0x12: {  	s25 =	simm.s32 $0x6380;
	s26 =	sadd.s32 $0x1, s1;
	(pc) =	sbr.rel .LBB2_1-.Ltmp0, $4  }
0x13: {  	s1 =	simm.s32 $0x9380;
	s4 =	sadd.s32 $0x2200, s6;
	s23 =	sadd.s32 s7, s9  }
0x14: {  	v2 =	vlaneseq.u32;
	s6 =	sadd.s32 $0x100, s2;
	[dreg:$0x7] =	wrdreg s26;
	s5 =	sshrl.u32 s23, $0x3  }
0x15: {  	vm0 =	vmmov $0xffff;
	v1 =	vshrl.u32 v2, $0x3;
	s7 =	sadd.s32 $0x200, s2;
	s9 =	simm.s32 $0xB380;
	s5 =	sadd.s32 s4, s5  }
0x16: {  	v0 =	vand.u32 $0x7, v2;
	v2 =	vor.u32 $0x8, v2;
	v1 =	vmul.u32 $0x8, v1;
	s23 =	simm.s32 $0x5380;
	[dreg:$0x5] =	wrdreg s5;
	s5 =	simm.s32 $0xA380  }
.LBB2_4:
0x17: {  	_ =	swait.ge [sflag:s14], $0x6000  }
0x18: {  	[sflag:s14] =	ssyncset.done $0x0  }
0x19: {  	s16 =	rddreg [dreg:$0x5];
	[sflag:s14] =	ssyncadd.s32 $0xFFFFA000  }
0x1a: {  	[hbm4b:s16+s3] =	stream.linear.scatter [tilespmem:s13], [sflag:$0x3], $0x6000, $0x38;
	[tilespmem:$0xC380] =	vst v63  }
0x1b: {  	_ =	swait.ge [sflag:s12], $0x6000  }
0x1c: {  	s17 =	rddreg [dreg:$0x8]  }
0x1d: {  	s26 =	rddreg [dreg:$0x6];
	s17 =	sadd.s32 $0x1, s17  }
0x1e: {  	p0 =	sne.s32 s17, s26  }
.Ltmp1:
0x1f: {  	_ = 	snop;
	(pc) =	sbr.rel @!p0 .LBB2_5-.Ltmp1, $3  }
0x20: {  	_ =	sdelay $0x1  }
0x21: {  	[sflag:s12] =	ssyncset.done $0x0  }
0x22: {  	[sflag:s12] =	ssyncadd.s32 $0xFFFFA000  }
.LBB2_1:
0x23: {  	[dreg:$0x8] =	wrdreg s17  }
0x24: {  	s16 =	rddreg [dreg:$0x4]  }
0x25: {  	[tilespmem:s3], [sflag:$0x3] =	stream.linear.gather [hbm4b:s16+s3], $0x320, $0x38;
	[tilespmem:$0xC380] =	vst v63  }
0x26: {  	_ =	swait.ge [sflag:s12], $0x320  }
0x27: {  	[sflag:s12] =	ssyncset.done $0x0  }
0x28: {  	[sflag:s12] =	ssyncadd.s32 $0xFFFFFCE0  }
0x29: {  	v3 =	vld [tilespmem:$0x0];
	_ =	sdelay $0x4  }
0x2a: {  	v4 =	vshrl.u32 v3, $0x3  }
0x2b: {  	v4 =	vmul.u32 $0x30, v4  }
0x2c: {  	v3 =	vand.u32 $0x7, v3  }
0x2d: {  	v3 =	vor.u32 v3, v4  }
0x2e: {  	v4 =	vperm.xlane v3, v0;
	_ =	sdelay $0x1  }
0x2f: {  	v4 =	vadd.s32 v1, v4;
	_ =	sdelay $0x3  }
0x30: {  	v3 =	vperm.xlane v3, v2  }
0x31: {  	[tilespmem:s13], [sflag:$0x1] =	stream.indirect_vreg.gather [hbm4b:s2+s3], $0x80, v4, vm0, $0xb8;
	[tilespmem:$0xC380] =	vst v63  }
0x32: {  	s19 =	simm.s32 $0xB80;
	v3 =	vadd.s32 v1, v3  }
0x33: {  	[tilespmem:s19], [sflag:$0x1] =	stream.indirect_vreg.gather [hbm4b:s6+s3], $0x80, v4, vm0, $0xb8;
	[tilespmem:$0xC380] =	vst v63  }
0x34: {  	s20 =	simm.s32 $0x1380  }
0x35: {  	[tilespmem:s20], [sflag:$0x1] =	stream.indirect_vreg.gather [hbm4b:s7+s3], $0x80, v4, vm0, $0xb8;
	[tilespmem:$0xC380] =	vst v63  }
0x36: {  	s26 =	simm.s32 $0x1B80  }
0x37: {  	[tilespmem:s26], [sflag:$0x1] =	stream.indirect_vreg.gather [hbm4b:s2+s3], $0x80, v3, vm0, $0xb8;
	[tilespmem:$0xC380] =	vst v63  }
0x38: {  	s17 =	simm.s32 $0x2380  }
0x39: {  	[tilespmem:s17], [sflag:$0x1] =	stream.indirect_vreg.gather [hbm4b:s6+s3], $0x80, v3, vm0, $0xb8;
	[tilespmem:$0xC380] =	vst v63  }
0x3a: {  	s18 =	simm.s32 $0x2B80  }
0x3b: {  	[tilespmem:s18], [sflag:$0x1] =	stream.indirect_vreg.gather [hbm4b:s7+s3], $0x80, v3, vm0, $0xb8;
	[tilespmem:$0xC380] =	vst v63  }
0x3c: {  	v3 =	vld [tilespmem:$0x10];
	_ =	sdelay $0x4  }
0x3d: {  	v61 =	vshrl.u32 v3, $0x3  }
0x3e: {  	v4 =	vmul.u32 $0x30, v61  }
0x3f: {  	v3 =	vand.u32 $0x7, v3  }
0x40: {  	v3 =	vor.u32 v3, v4  }
0x41: {  	v4 =	vperm.xlane v3, v0;
	_ =	sdelay $0x1  }
0x42: {  	v4 =	vadd.s32 v1, v4;
	_ =	sdelay $0x3  }
0x43: {  	s19 =	simm.s32 $0x3380;
	v3 =	vperm.xlane v3, v2  }
0x44: {  	[tilespmem:s19], [sflag:$0x1] =	stream.indirect_vreg.gather [hbm4b:s2+s3], $0x80, v4, vm0, $0xb8;
	[tilespmem:$0xC380] =	vst v63  }
0x45: {  	s20 =	simm.s32 $0x3B80;
	v3 =	vadd.s32 v1, v3  }
0x46: {  	[tilespmem:s20], [sflag:$0x1] =	stream.indirect_vreg.gather [hbm4b:s6+s3], $0x80, v4, vm0, $0xb8;
	[tilespmem:$0xC380] =	vst v63  }
0x47: {  	_ = 	snop  }
0x48: {  	[tilespmem:s21], [sflag:$0x1] =	stream.indirect_vreg.gather [hbm4b:s7+s3], $0x80, v4, vm0, $0xb8;
	[tilespmem:$0xC380] =	vst v63  }
0x49: {  	_ = 	snop  }
0x4a: {  	[tilespmem:s22], [sflag:$0x1] =	stream.indirect_vreg.gather [hbm4b:s2+s3], $0x80, v3, vm0, $0xb8;
	[tilespmem:$0xC380] =	vst v63  }
0x4b: {  	_ = 	snop  }
0x4c: {  	[tilespmem:s23], [sflag:$0x1] =	stream.indirect_vreg.gather [hbm4b:s6+s3], $0x80, v3, vm0, $0xb8;
	[tilespmem:$0xC380] =	vst v63  }
0x4d: {  	_ = 	snop  }
0x4e: {  	[tilespmem:s24], [sflag:$0x1] =	stream.indirect_vreg.gather [hbm4b:s7+s3], $0x80, v3, vm0, $0xb8;
	[tilespmem:$0xC380] =	vst v63  }
0x4f: {  	v3 =	vld [tilespmem:$0x20];
	_ =	sdelay $0x4  }
0x50: {  	v62 =	vshrl.u32 v3, $0x3  }
0x51: {  	v4 =	vmul.u32 $0x30, v62  }
0x52: {  	v3 =	vand.u32 $0x7, v3  }
0x53: {  	v3 =	vor.u32 v3, v4  }
0x54: {  	v4 =	vperm.xlane v3, v0;
	_ =	sdelay $0x1  }
0x55: {  	v4 =	vadd.s32 v1, v4;
	_ =	sdelay $0x3  }
0x56: {  	v3 =	vperm.xlane v3, v2  }
0x57: {  	[tilespmem:s25], [sflag:$0x2] =	stream.indirect_vreg.gather [hbm4b:s2+s3], $0x80, v4, vm0, $0xb8;
	[tilespmem:$0xC380] =	vst v63  }
0x58: {  	s26 =	simm.s32 $0x6B80;
	v3 =	vadd.s32 v1, v3  }
0x59: {  	[tilespmem:s26], [sflag:$0x2] =	stream.indirect_vreg.gather [hbm4b:s6+s3], $0x80, v4, vm0, $0xb8;
	[tilespmem:$0xC380] =	vst v63  }
0x5a: {  	_ = 	snop  }
0x5b: {  	[tilespmem:s28], [sflag:$0x2] =	stream.indirect_vreg.gather [hbm4b:s7+s3], $0x80, v4, vm0, $0xb8;
	[tilespmem:$0xC380] =	vst v63  }
0x5c: {  	_ = 	snop  }
0x5d: {  	[tilespmem:s29], [sflag:$0x2] =	stream.indirect_vreg.gather [hbm4b:s2+s3], $0x80, v3, vm0, $0xb8;
	[tilespmem:$0xC380] =	vst v63  }
0x5e: {  	_ = 	snop  }
0x5f: {  	[tilespmem:s30], [sflag:$0x2] =	stream.indirect_vreg.gather [hbm4b:s6+s3], $0x80, v3, vm0, $0xb8;
	[tilespmem:$0xC380] =	vst v63  }
0x60: {  	_ = 	snop  }
0x61: {  	[tilespmem:s31], [sflag:$0x2] =	stream.indirect_vreg.gather [hbm4b:s7+s3], $0x80, v3, vm0, $0xb8;
	[tilespmem:$0xC380] =	vst v63  }
0x62: {  	v3 =	vld [tilespmem:$0x30];
	_ =	sdelay $0x4  }
0x63: {  	v63 =	vshrl.u32 v3, $0x3  }
0x64: {  	v4 =	vmul.u32 $0x30, v63  }
0x65: {  	v3 =	vand.u32 $0x7, v3  }
0x66: {  	v3 =	vor.u32 v3, v4  }
0x67: {  	v4 =	vperm.xlane v3, v0;
	_ =	sdelay $0x1  }
0x68: {  	v4 =	vadd.s32 v1, v4;
	_ =	sdelay $0x3  }
0x69: {  	v3 =	vperm.xlane v3, v2  }
0x6a: {  	[tilespmem:s1], [sflag:$0x2] =	stream.indirect_vreg.gather [hbm4b:s2+s3], $0x80, v4, vm0, $0xb8;
	[tilespmem:$0xC380] =	vst v63  }
0x6b: {  	v3 =	vadd.s32 v1, v3  }
0x6c: {  	[tilespmem:s0], [sflag:$0x2] =	stream.indirect_vreg.gather [hbm4b:s6+s3], $0x80, v4, vm0, $0xb8;
	[tilespmem:$0xC380] =	vst v63  }
0x6d: {  	_ = 	snop  }
0x6e: {  	[tilespmem:s5], [sflag:$0x2] =	stream.indirect_vreg.gather [hbm4b:s7+s3], $0x80, v4, vm0, $0xb8;
	[tilespmem:$0xC380] =	vst v63  }
0x6f: {  	_ = 	snop  }
0x70: {  	[tilespmem:s8], [sflag:$0x2] =	stream.indirect_vreg.gather [hbm4b:s2+s3], $0x80, v3, vm0, $0xb8;
	[tilespmem:$0xC380] =	vst v63  }
0x71: {  	_ = 	snop  }
0x72: {  	[tilespmem:s9], [sflag:$0x2] =	stream.indirect_vreg.gather [hbm4b:s6+s3], $0x80, v3, vm0, $0xb8;
	[tilespmem:$0xC380] =	vst v63  }
0x73: {  	s16 =	simm.s32 $0x70;
	s17 =	rddreg [dreg:$0x7];
	s18 =	simm.s32 $0x0  }
0x74: {  	[tilespmem:s11], [sflag:$0x2] =	stream.indirect_vreg.gather [hbm4b:s7+s3], $0x80, v3, vm0, $0xb8;
	[tilespmem:$0xC380] =	vst v63  }
.LBB2_2:
0x75: {  	s26 =	sadd.s32 $0xFFFFFFFF, s17  }
0x76: {  	s19 =	sadd.s32 s18, s10;
	s26 =	sshrl.u32 s26, $0x5  }
0x77: {  	s20 =	sand.u32 $0x7C, s19;
	s26 =	smul.u32 $0xC0000, s26  }
0x78: {  	s20 =	smul.u32 $0x1800, s20;
	_ =	sdelay $0x1  }
0x79: {  	_ =	swait.ge [sflag:s14], $0x6000;
	s20 =	sadd.s32 s26, s20  }
0x7a: {  	[sflag:s14] =	ssyncset.done $0x0;
	s20 =	sshrl.u32 s20, $0x3  }
0x7b: {  	[sflag:s14] =	ssyncadd.s32 $0xFFFFA000;
	s20 =	sadd.s32 s4, s20  }
0x7c: {  	[hbm4b:s20+s3] =	stream.linear.scatter [tilespmem:s13], [sflag:$0x3], $0x6000, $0x38;
	[tilespmem:$0xC380] =	vst v63  }
0x7d: {  	_ =	swait.ge [sflag:s12], $0x6000  }
0x7e: {  	[sflag:s12] =	ssyncset.done $0x0  }
0x7f: {  	[sflag:s12] =	ssyncadd.s32 $0xFFFFA000  }
0x80: {  	v3 =	vld [tilespmem:s16+$0xFFFFFFD0];
	_ =	sdelay $0x4  }
0x81: {  	v4 =	vshrl.u32 v3, $0x3  }
0x82: {  	v4 =	vmul.u32 $0x30, v4  }
0x83: {  	v3 =	vand.u32 $0x7, v3  }
0x84: {  	v3 =	vor.u32 v3, v4  }
0x85: {  	v4 =	vperm.xlane v3, v0;
	_ =	sdelay $0x1  }
0x86: {  	v4 =	vadd.s32 v1, v4;
	_ =	sdelay $0x3  }
0x87: {  	v3 =	vperm.xlane v3, v2  }
0x88: {  	[tilespmem:s13], [sflag:$0x1] =	stream.indirect_vreg.gather [hbm4b:s2+s3], $0x80, v4, vm0, $0xb8;
	[tilespmem:$0xC380] =	vst v63  }
0x89: {  	s26 =	simm.s32 $0xB80;
	v3 =	vadd.s32 v1, v3  }
0x8a: {  	[tilespmem:s26], [sflag:$0x1] =	stream.indirect_vreg.gather [hbm4b:s6+s3], $0x80, v4, vm0, $0xb8;
	[tilespmem:$0xC380] =	vst v63  }
0x8b: {  	s26 =	simm.s32 $0x1380  }
0x8c: {  	[tilespmem:s26], [sflag:$0x1] =	stream.indirect_vreg.gather [hbm4b:s7+s3], $0x80, v4, vm0, $0xb8;
	[tilespmem:$0xC380] =	vst v63  }
0x8d: {  	s26 =	simm.s32 $0x1B80  }
0x8e: {  	[tilespmem:s26], [sflag:$0x1] =	stream.indirect_vreg.gather [hbm4b:s2+s3], $0x80, v3, vm0, $0xb8;
	[tilespmem:$0xC380] =	vst v63  }
0x8f: {  	s26 =	simm.s32 $0x2380  }
0x90: {  	[tilespmem:s26], [sflag:$0x1] =	stream.indirect_vreg.gather [hbm4b:s6+s3], $0x80, v3, vm0, $0xb8;
	[tilespmem:$0xC380] =	vst v63  }
0x91: {  	s26 =	simm.s32 $0x2B80  }
0x92: {  	[tilespmem:s26], [sflag:$0x1] =	stream.indirect_vreg.gather [hbm4b:s7+s3], $0x80, v3, vm0, $0xb8;
	[tilespmem:$0xC380] =	vst v63  }
0x93: {  	v3 =	vld [tilespmem:s16+$0xFFFFFFE0];
	_ =	sdelay $0x4  }
0x94: {  	v63 =	vshrl.u32 v3, $0x3  }
0x95: {  	v4 =	vmul.u32 $0x30, v63  }
0x96: {  	v3 =	vand.u32 $0x7, v3  }
0x97: {  	v3 =	vor.u32 v3, v4  }
0x98: {  	v4 =	vperm.xlane v3, v0;
	_ =	sdelay $0x1  }
0x99: {  	v4 =	vadd.s32 v1, v4;
	_ =	sdelay $0x3  }
0x9a: {  	s26 =	simm.s32 $0x3380;
	v3 =	vperm.xlane v3, v2  }
0x9b: {  	[tilespmem:s26], [sflag:$0x1] =	stream.indirect_vreg.gather [hbm4b:s2+s3], $0x80, v4, vm0, $0xb8;
	[tilespmem:$0xC380] =	vst v63  }
0x9c: {  	v3 =	vadd.s32 v1, v3;
	s26 =	simm.s32 $0x3B80  }
0x9d: {  	[tilespmem:s26], [sflag:$0x1] =	stream.indirect_vreg.gather [hbm4b:s6+s3], $0x80, v4, vm0, $0xb8;
	[tilespmem:$0xC380] =	vst v63  }
0x9e: {  	s19 =	sadd.s32 $0x4, s19  }
0x9f: {  	[tilespmem:s21], [sflag:$0x1] =	stream.indirect_vreg.gather [hbm4b:s7+s3], $0x80, v4, vm0, $0xb8;
	[tilespmem:$0xC380] =	vst v63  }
0xa0: {  	s19 =	sand.u32 $0x7C, s19  }
0xa1: {  	[tilespmem:s22], [sflag:$0x1] =	stream.indirect_vreg.gather [hbm4b:s2+s3], $0x80, v3, vm0, $0xb8;
	[tilespmem:$0xC380] =	vst v63  }
0xa2: {  	s19 =	smul.u32 $0x1800, s19;
	s26 =	sshrl.u32 s17, $0x5  }
0xa3: {  	[tilespmem:s23], [sflag:$0x1] =	stream.indirect_vreg.gather [hbm4b:s6+s3], $0x80, v3, vm0, $0xb8;
	[tilespmem:$0xC380] =	vst v63  }
0xa4: {  	s20 =	smul.u32 $0xC0000, s26  }
0xa5: {  	[tilespmem:s24], [sflag:$0x1] =	stream.indirect_vreg.gather [hbm4b:s7+s3], $0x80, v3, vm0, $0xb8;
	[tilespmem:$0xC380] =	vst v63  }
0xa6: {  	s19 =	sadd.s32 s20, s19;
	_ =	swait.ge [sflag:s15], $0x6000  }
0xa7: {  	p0 =	seq.s32 s18, $0x58;
	s19 =	sshrl.u32 s19, $0x3;
	[sflag:s15] =	ssyncset.done $0x0  }
.Ltmp2:
0xa8: {  	s19 =	sadd.s32 s4, s19;
	[sflag:s15] =	ssyncadd.s32 $0xFFFFA000;
	(pc) =	sbr.rel @p0 .LBB2_4-.Ltmp2, $4  }
0xa9: {  	[hbm4b:s19+s3] =	stream.linear.scatter [tilespmem:s25], [sflag:$0x3], $0x6000, $0x38;
	[tilespmem:$0xC380] =	vst v63  }
0xaa: {  	_ =	swait.ge [sflag:s12], $0x6000  }
0xab: {  	[sflag:s12] =	ssyncset.done $0x0  }
0xac: {  	[sflag:s12] =	ssyncadd.s32 $0xFFFFA000  }
0xad: {  	v3 =	vld [tilespmem:s16+$0xFFFFFFF0];
	_ =	sdelay $0x4  }
0xae: {  	v4 =	vshrl.u32 v3, $0x3  }
0xaf: {  	v4 =	vmul.u32 $0x30, v4  }
0xb0: {  	v3 =	vand.u32 $0x7, v3  }
0xb1: {  	v3 =	vor.u32 v3, v4  }
0xb2: {  	v4 =	vperm.xlane v3, v0;
	_ =	sdelay $0x1  }
0xb3: {  	v4 =	vadd.s32 v1, v4;
	_ =	sdelay $0x3  }
0xb4: {  	v3 =	vperm.xlane v3, v2  }
0xb5: {  	[tilespmem:s25], [sflag:$0x2] =	stream.indirect_vreg.gather [hbm4b:s2+s3], $0x80, v4, vm0, $0xb8;
	[tilespmem:$0xC380] =	vst v63  }
0xb6: {  	s19 =	simm.s32 $0x6B80;
	v3 =	vadd.s32 v1, v3  }
0xb7: {  	[tilespmem:s19], [sflag:$0x2] =	stream.indirect_vreg.gather [hbm4b:s6+s3], $0x80, v4, vm0, $0xb8;
	[tilespmem:$0xC380] =	vst v63  }
0xb8: {  	_ = 	snop  }
0xb9: {  	[tilespmem:s28], [sflag:$0x2] =	stream.indirect_vreg.gather [hbm4b:s7+s3], $0x80, v4, vm0, $0xb8;
	[tilespmem:$0xC380] =	vst v63  }
0xba: {  	_ = 	snop  }
0xbb: {  	[tilespmem:s29], [sflag:$0x2] =	stream.indirect_vreg.gather [hbm4b:s2+s3], $0x80, v3, vm0, $0xb8;
	[tilespmem:$0xC380] =	vst v63  }
0xbc: {  	_ = 	snop  }
0xbd: {  	[tilespmem:s30], [sflag:$0x2] =	stream.indirect_vreg.gather [hbm4b:s6+s3], $0x80, v3, vm0, $0xb8;
	[tilespmem:$0xC380] =	vst v63  }
0xbe: {  	_ = 	snop  }
0xbf: {  	[tilespmem:s31], [sflag:$0x2] =	stream.indirect_vreg.gather [hbm4b:s7+s3], $0x80, v3, vm0, $0xb8;
	[tilespmem:$0xC380] =	vst v63  }
0xc0: {  	v3 =	vld [tilespmem:s16+$0x0];
	_ =	sdelay $0x4  }
0xc1: {  	v63 =	vshrl.u32 v3, $0x3  }
0xc2: {  	v4 =	vmul.u32 $0x30, v63  }
0xc3: {  	v3 =	vand.u32 $0x7, v3  }
0xc4: {  	v3 =	vor.u32 v3, v4  }
0xc5: {  	v4 =	vperm.xlane v3, v0;
	_ =	sdelay $0x1  }
0xc6: {  	v4 =	vadd.s32 v1, v4;
	_ =	sdelay $0x3  }
0xc7: {  	v3 =	vperm.xlane v3, v2  }
0xc8: {  	[tilespmem:s1], [sflag:$0x2] =	stream.indirect_vreg.gather [hbm4b:s2+s3], $0x80, v4, vm0, $0xb8;
	[tilespmem:$0xC380] =	vst v63  }
0xc9: {  	v3 =	vadd.s32 v1, v3  }
0xca: {  	[tilespmem:s0], [sflag:$0x2] =	stream.indirect_vreg.gather [hbm4b:s6+s3], $0x80, v4, vm0, $0xb8;
	[tilespmem:$0xC380] =	vst v63  }
0xcb: {  	_ = 	snop  }
0xcc: {  	[tilespmem:s5], [sflag:$0x2] =	stream.indirect_vreg.gather [hbm4b:s7+s3], $0x80, v4, vm0, $0xb8;
	[tilespmem:$0xC380] =	vst v63  }
0xcd: {  	_ = 	snop  }
0xce: {  	[tilespmem:s8], [sflag:$0x2] =	stream.indirect_vreg.gather [hbm4b:s2+s3], $0x80, v3, vm0, $0xb8;
	[tilespmem:$0xC380] =	vst v63  }
.Ltmp3:
0xcf: {  	_ = 	snop;
	(pc) =	sbr.rel .LBB2_2-.Ltmp3, $4  }
0xd0: {  	_ = 	snop  }
0xd1: {  	[tilespmem:s9], [sflag:$0x2] =	stream.indirect_vreg.gather [hbm4b:s6+s3], $0x80, v3, vm0, $0xb8;
	[tilespmem:$0xC380] =	vst v63  }
0xd2: {  	s18 =	sadd.s32 $0x8, s18;
	s17 =	sadd.s32 $0x2, s17;
	s16 =	sadd.s32 $0x40, s16  }
0xd3: {  	[tilespmem:s11], [sflag:$0x2] =	stream.indirect_vreg.gather [hbm4b:s7+s3], $0x80, v3, vm0, $0xb8;
	[tilespmem:$0xC380] =	vst v63  }
.LBB2_5:
0xd4: {  	_ =	sfence.sel $0x180000  }
0xd5: {  	[bflag:$0x0] =	sbarrier.arrive $0xFFFF  }
0xd6: {  	_ =	strace $0x90000047  }
0xd7: {  	s0 =	stileid.u32;
	[bflag:$0x2] =	sbarrier.arrive $0xFFFF  }
0xd8: {  	p0 =	sne.s32 s0, $0x0;
	s0 =	rddreg [dreg:$0x3]  }
0xd9: {  	s0 =	sadd.s32 @!p0 $0x100000, s0  }
0xda: {  	[sflag:s0] =	ssyncadd.tile.s32 @!p0 $0x1;
	_ =	shalt  }
.Lfunc_end2:
_tile_overlayer_lowered:
.L_overlay_start_2:
0xdb: {  	(tag) =	ssettag $0x2  }
0xdc: {  	s0 =	rddreg [dreg:$0x0];
	s2 =	stileid.u32  }
0xdd: {  	s1 =	rddreg [dreg:$0x1];
	p0 =	sne.s32 s2, $0x0  }
0xde: {  	s3 =	rddreg [dreg:$0x2];
	[bflag:$0x3] =	sbarrier.arrive $0xFFFF;
	s2 =	simm.s32 @!p0 $0x1C03  }
0xdf: {  	[timem:s3], [sflag:s2] =	dma.local @!p0 [hbm:s0], s1  }
0xe0: {  	s0 =	simm.s32 @!p0 $0x3  }
0xe1: {  	_ =	swait.ge @!p0 [sflag:s0], s1  }
0xe2: {  	s1 =	ssub.s32 @!p0 $0x0, s1;
	[sflag:s0] =	ssyncset.done @!p0 $0x0  }
0xe3: {  	[sflag:s0] =	ssyncadd.s32 @!p0 s1  }
0xe4: {  	[bflag:$0x3] =	sbarrier.arrive $0xFFFF  }
0xe5: {  	_ =	shalt  }

// kernel: _prev_embedding.9.cloned.1.call-start
scs
__scs_entry_jumppad:
0x0: {  	(pc) =	sbr.rel $0x88, $3  }
0x1: {  	(tag) =	ssettag $0x0;
	lr =	simm.s32 $0x1  }
0x2: {  	[smem:$0x3F9A] =	sst lr;
	_ =	strace $0xD0000000  }
0x3: {  	_ = 	snop  }
0x4: {  	_ = 	snop  }
0x5: {  	_ = 	snop  }
0x6: {  	_ = 	snop  }
0x7: {  	_ = 	snop  }
__scs_overlays_trampoline_lowered:
0x8: {  	[smem:$0x3FA9] =	sst s0  }
0x9: {  	[smem:$0x3FAA] =	sst s1  }
0xa: {  	[smem:$0x3FAB] =	sst s2  }
0xb: {  	[smem:$0x3FAC] =	sst s3  }
0xc: {  	[smem:$0x3FAD] =	sst s4  }
0xd: {  	[smem:$0x3FAE] =	sst s5  }
0xe: {  	[smem:$0x3FAF] =	sst s6  }
0xf: {  	[smem:$0x3FB0] =	sst s7  }
0x10: {  	[smem:$0x3FB1] =	sst s8  }
0x11: {  	[smem:$0x3FB2] =	sst s9;
	s0 =	simm.s32 @!p0 $0x0  }
0x12: {  	s1 =	sld [smem:$0x3F98];
	s0 =	simm.s32 @p0 $0x1  }
0x13: {  	[smem:$0x3FB3] =	sst s0;
	s0 =	simm.s32 @!p1 $0x0  }
0x14: {  	s2 =	sld [smem:$0x3F97];
	s0 =	simm.s32 @p1 $0x1  }
0x15: {  	[smem:$0x3FB4] =	sst s0;
	s0 =	simm.s32 @!p2 $0x0  }
0x16: {  	s3 =	sld [smem:$0x3FDB];
	s0 =	simm.s32 @p2 $0x1  }
0x17: {  	s4 =	simm.s32 $0x1BF5;
	[smem:$0x3FB6] =	sst s0  }
0x18: {  	s0 =	sld [smem:$0x3F99];
	_ =	swait.ge [sflag:s4], $0x0  }
0x19: {  	s7 =	sld [smem:$0x3F9A]  }
0x1a: {  	s8 =	sadd.s32 $0xFFFFE003, lr  }
0x1b: {  	s9 =	sadd.s32 $0xFFFFFEF7, lr;
	s5 =	simm.s32 $0xFFFFFFFF;
	p2 =	slt.u32 s8, $0xFFFFF086  }
0x1c: {  	p1 =	slt.u32 s9, $0xF7A;
	s5 =	simm.s32 @!p2 $0x0  }
0x1d: {  	s5 =	simm.s32 @p1 $0x1;
	p0 =	seq.s32 s7, s2  }
0x1e: {  	s7 =	smul.u32 @!p0 $0xF7A, s2;
	p2 =	seq.s32 @!p0 s5, $0x0  }
0x1f: {  	s9 =	smul.u32 $0xF7A, s1;
	s8 =	simm.s32 @!p0 $0x1BF5;
	p2 =	por !p2, p0  }
0x20: {  	[sflag:s8] =	ssyncset.s32 @!p0 $0xFFFFF086;
	s6 =	sadd.s32 @!p0 s3, s7;
	s7 =	simm.s32 @!p0 $0x108  }
0x21: {  	s3 =	sadd.s32 s3, s9;
	s6 =	sadd.s32 @!p0 $0x88, s6;
	s7 =	simm.s32 @p2 $0x1082  }
0x22: {  	[simem:s7], [sflag:s8] =	dma.local @!p0 [hbm:s6], $0xF7A  }
0x23: {  	s9 =	sor.u32 $0xD0000000, s2;
	s6 =	simm.s32 $0x108;
	_ =	swait.ge @!p0 [sflag:s8], $0x0  }
0x24: {  	s3 =	sadd.s32 $0x88, s3;
	s6 =	simm.s32 @!p1 $0x1082;
	[sflag:s4] =	ssyncset.s32 $0xFFFFF086  }
0x25: {  	[simem:s6], [sflag:s4] =	dma.local [hbm:s3], $0xF7A  }
0x26: {  	[smem:$0x3F9A] =	sst s1;
	(tag) =	ssettag s2;
	_ =	strace s9  }
0x27: {  	s1 =	sld [smem:$0x3FAA]  }
0x28: {  	s2 =	sld [smem:$0x3FAB]  }
0x29: {  	s4 =	sld [smem:$0x3FAD]  }
0x2a: {  	p0 =	seq.s32 s5, $0x0;
	s5 =	sld [smem:$0x3FAE]  }
0x2b: {  	s6 =	sld [smem:$0x3FAF]  }
0x2c: {  	s7 =	sld [smem:$0x3FB0]  }
0x2d: {  	s3 =	simm.s32 $0x108;
	s8 =	sld [smem:$0x3FB1]  }
0x2e: {  	s3 =	simm.s32 @!p0 $0x1082;
	s9 =	sld [smem:$0x3FB2]  }
0x2f: {  	lr =	sadd.s32 s0, s3;
	s0 =	sld [smem:$0x3FA9]  }
0x30: {  	s3 =	sld [smem:$0x3FAC]  }
0x31: {  	[smem:$0x3FB5] =	sst s10  }
0x32: {  	s10 =	sld [smem:$0x3FB3];
	_ =	sdelay $0x3  }
0x33: {  	p0 =	seq.s32 s10, $0x1;
	s10 =	sld [smem:$0x3FB5];
	_ =	sdelay $0x3  }
0x34: {  	[smem:$0x3FB5] =	sst s10  }
0x35: {  	s10 =	sld [smem:$0x3FB4];
	_ =	sdelay $0x3  }
0x36: {  	p1 =	seq.s32 s10, $0x1;
	s10 =	sld [smem:$0x3FB5];
	_ =	sdelay $0x3  }
0x37: {  	[smem:$0x3FB5] =	sst s10  }
0x38: {  	s10 =	sld [smem:$0x3FB6]  }
0x39: {  	_ = 	snop;
	(pc) =	sbr.ind lr, $3  }
0x3a: {  	_ = 	snop  }
0x3b: {  	_ = 	snop  }
0x3c: {  	p2 =	seq.s32 s10, $0x1;
	s10 =	sld [smem:$0x3FB5]  }
0x3d: {  	_ =	shalt  }
0x3e: {  	_ =	shalt  }
0x3f: {  	_ =	shalt  }
0x40: {  	_ =	shalt  }
0x41: {  	_ =	shalt  }
0x42: {  	_ =	shalt  }
0x43: {  	_ =	shalt  }
0x44: {  	_ =	shalt  }
0x45: {  	_ =	shalt  }
0x46: {  	_ =	shalt  }
0x47: {  	_ =	shalt  }
0x48: {  	_ =	shalt  }
0x49: {  	_ =	shalt  }
0x4a: {  	_ =	shalt  }
0x4b: {  	_ =	shalt  }
0x4c: {  	_ =	shalt  }
0x4d: {  	_ =	shalt  }
0x4e: {  	_ =	shalt  }
0x4f: {  	_ =	shalt  }
0x50: {  	_ =	shalt  }
0x51: {  	_ =	shalt  }
0x52: {  	_ =	shalt  }
0x53: {  	_ =	shalt  }
0x54: {  	_ =	shalt  }
0x55: {  	_ =	shalt  }
0x56: {  	_ =	shalt  }
0x57: {  	_ =	shalt  }
0x58: {  	_ =	shalt  }
0x59: {  	_ =	shalt  }
0x5a: {  	_ =	shalt  }
0x5b: {  	_ =	shalt  }
0x5c: {  	_ =	shalt  }
0x5d: {  	_ =	shalt  }
0x5e: {  	_ =	shalt  }
0x5f: {  	_ =	shalt  }
0x60: {  	_ =	shalt  }
0x61: {  	_ =	shalt  }
0x62: {  	_ =	shalt  }
0x63: {  	_ =	shalt  }
0x64: {  	_ =	shalt  }
0x65: {  	_ =	shalt  }
0x66: {  	_ =	shalt  }
0x67: {  	_ =	shalt  }
0x68: {  	_ =	shalt  }
0x69: {  	_ =	shalt  }
0x6a: {  	_ =	shalt  }
0x6b: {  	_ =	shalt  }
0x6c: {  	_ =	shalt  }
0x6d: {  	_ =	shalt  }
0x6e: {  	_ =	shalt  }
0x6f: {  	_ =	shalt  }
0x70: {  	_ =	shalt  }
0x71: {  	_ =	shalt  }
0x72: {  	_ =	shalt  }
0x73: {  	_ =	shalt  }
0x74: {  	_ =	shalt  }
0x75: {  	_ =	shalt  }
0x76: {  	_ =	shalt  }
0x77: {  	_ =	shalt  }
0x78: {  	_ =	shalt  }
0x79: {  	_ =	shalt  }
0x7a: {  	_ =	shalt  }
0x7b: {  	_ =	shalt  }
0x7c: {  	_ =	shalt  }
0x7d: {  	_ =	shalt  }
0x7e: {  	_ =	shalt  }
0x7f: {  	_ =	shalt  }
0x80: {  	_ =	shalt  }
0x81: {  	_ =	shalt  }
0x82: {  	_ =	shalt  }
0x83: {  	_ =	shalt  }
0x84: {  	_ =	shalt  }
0x85: {  	_ =	shalt  }
0x86: {  	_ =	shalt  }
0x87: {  	_ =	shalt  }
.Lfunc_end0:
.L_simem_size_0:
called_computation.1_lowered:
.L_overlay_start_0:
0x88: {  	s2 =	sld [smem:$0x3FD9]  }
0x89: {  	s3 =	sld [smem:$0x3FFE];
	_ =	sdelay $0x1  }
0x8a: {  	s1 =	srdreg.scid  }
0x8b: {  	s0 =	sand.u32 $0x1, s1  }
0x8c: {  	s17 =	sshll.u32 s0, $0xA;
	s2 =	sadd.s32 s3, s2  }
0x8d: {  	s2 =	sadd.s32 s2, s17  }
0x8e: {  	[smem:$0x3FC1] =	sst s2  }
0x8f: {  	_ = 	snop  }
0x90: {  	s18 =	sld [smem:$0x3FC9];
	(tm) =	ssettm $0x1  }
0x91: {  	s19 =	sld [smem:$0x3FFB];
	_ =	sdelay $0x3  }
0x92: {  	_ =	strace s19  }
0x93: {  	s2 =	sld [smem:$0x3FFC];
	_ =	sdelay $0x3  }
0x94: {  	_ =	strace s2  }
0x95: {  	s2 =	sld [smem:$0x3FFD];
	_ =	sdelay $0x3  }
0x96: {  	_ =	strace s2  }
0x97: {  	_ =	strace $0x8FFFFFFF  }
0x98: {  	s20 =	sld [smem:$0x3FDB];
	_ =	sdelay $0x1  }
0x99: {  	s4 =	simm.s32 $_scs_section_size  }
0x9a: {  	s5 =	simm.s32 $_size__tile_overlayer_lowered;
	s6 =	simm.s32 $_tile_overlayer_lowered  }
0x9b: {  	s7 =	simm.s32 $0x1BFF;
	s21 =	sshll.u32 s6, $0x1;
	s4 =	sadd.s32 s4, s20  }
0x9c: {  	s22 =	simm.s32 $0x0;
	s5 =	sshll.u32 s5, $0x1;
	s6 =	sadd.s32 s21, s4  }
0x9d: {  	[timem:s22], [sflag:s7] =	dma.local [hbm:s6], s5  }
0x9e: {  	_ =	swait.ge [sflag:s7], s5  }
0x9f: {  	s5 =	ssub.s32 $0x0, s5;
	[sflag:s7] =	ssyncset.done $0x0  }
0xa0: {  	[sflag:s7] =	ssyncadd.s32 s5;
	_ =	sdelay $0x1  }
0xa1: {  	s23 =	simm.s32 $0x1B8B  }
0xa2: {  	_ =	swait.ge [sflag:s23], $0x1  }
0xa3: {  	[sflag:s23] =	ssyncset.done $0x0  }
0xa4: {  	[sflag:s23] =	ssyncadd.s32 $0xFFFFFFFF  }
0xa5: {  	s5 =	sld [smem:$0x0]  }
0xa6: {  	s6 =	sand.u32 $0xFFFFFFFE, s1  }
0xa7: {  	p0 =	sne.s32 s1, s6  }
0xa8: {  	s6 =	sshll.u32 @p0 s6, $0xE  }
0xa9: {  	s6 =	sadd.s32 @p0 $0x11B8D, s6;
	s7 =	sshll.u32 @p0 s5, $0x11  }
0xaa: {  	s6 =	sor.u32 @p0 s7, s6  }
0xab: {  	[sflag:s6] =	ssyncadd.remote.s32 @p0 $0x1;
	_ =	sdelay $0x1  }
0xac: {  	s6 =	simm.s32 @p0 $0x1B8D  }
0xad: {  	_ =	swait.eq @p0 [sflag:s6], $0x1  }
0xae: {  	[sflag:s6] =	ssyncadd.s32 @p0 $0xFFFFFFFF  }
0xaf: {  	s7 =	sshll.u32 @!p0 s1, $0xE  }
0xb0: {  	s7 =	sor.u32 @!p0 $0x4000, s7;
	s6 =	simm.s32 @!p0 $0x1B8D  }
0xb1: {  	s5 =	sshll.u32 @!p0 s5, $0x11;
	s7 =	sadd.s32 @!p0 $0x11B8D, s7;
	_ =	swait.eq @!p0 [sflag:s6], $0x1  }
0xb2: {  	s5 =	sor.u32 @!p0 s5, s7;
	[sflag:s6] =	ssyncadd.s32 @!p0 $0xFFFFFFFF  }
0xb3: {  	s25 =	simm.s32 $0x1B8E;
	s24 =	sld [smem:$0x3FFE];
	[sflag:s5] =	ssyncadd.remote.s32 @!p0 $0x1  }
0xb4: {  	s26 =	simm.s32 $execute0_lowered;
	[smem:$0x3FD2] =	sst s25  }
0xb5: {  	s6 =	sshll.u32 s26, $0x1;
	_ =	strace $0x80000049;
	[dreg:$0x1] =	wrdreg $0xFFFFFFFF  }
0xb6: {  	s28 =	simm.s32 $_size_execute0_lowered;
	s4 =	sadd.s32 s4, s6;
	[dreg:$0x0] =	wrdreg $0x0  }
0xb7: {  	s6 =	sshll.u32 s28, $0x1;
	[dreg:$0x2] =	wrdreg s4  }
0xb8: {  	[dreg:$0x3] =	wrdreg s6  }
0xb9: {  	[dreg:$0x4] =	wrdreg $0xC0  }
0xba: {  	_ =	task [dreg:s22], $0x5FFFF  }
0xbb: {  	[dreg:$0x1] =	wrdreg $0xFFFFFFFF  }
0xbc: {  	[dreg:$0x0] =	wrdreg $0x60  }
0xbd: {  	[dreg:$0x2] =	wrdreg s18  }
0xbe: {  	[dreg:$0x3] =	wrdreg s24  }
0xbf: {  	[dreg:$0x4] =	wrdreg $0xA  }
0xc0: {  	_ =	task.clear_ibuf [dreg:s22], $0x5FFFF;
	_ =	strace $0x90000049  }
0xc1: {  	s29 =	simm.s32 $0xA;
	_ =	strace $0x8000004B  }
0xc2: {  	_ =	swait.ge [sflag:s29], $0x1  }
0xc3: {  	[sflag:s29] =	ssyncadd.s32 $0xFFFFFFFF  }
0xc4: {  	_ =	strace $0x9000004B  }
0xc5: {  	_ =	sfence  }
0xc6: {  	s30 =	sld [smem:$0x0];
	_ =	sdelay $0x2  }
0xc7: {  	s31 =	sshll.u32 s1, $0xD;
	s1 =	sshrl.u32 s1, $0x2  }
0xc8: {  	s4 =	sand.u32 $0x4000, s31;
	s1 =	sadd.s32 s1, s30  }
0xc9: {  	s0 =	sor.u32 s4, s0;
	s1 =	sshll.u32 s1, $0x11  }
0xca: {  	s0 =	sor.u32 s1, s0  }
0xcb: {  	s0 =	sadd.s32 $0x8F2B, s0  }
0xcc: {  	[sflag:s0] =	ssyncadd.remote.s32 $0x1  }
0xcd: {  	_ =	sfence.sel $0xFFFF  }
0xce: {  	[dreg:$0x0] =	wrdreg $0xFFFFFFFF;
	(pc) =	sbr.abs _section_cstart, $3  }
0xcf: {  	[dreg:$0x1] =	wrdreg $0xFFFFFFFF  }
0xd0: {  	_ =	task.clear_ibuf [dreg:s22], $0x2FFFF;
	_ =	strace $0x9FFFFFFF  }
0xd1: {  	(tm) =	ssettm $0x7FFFFFFF  }
tec
execute0_lowered:
.L_overlay_start_1:
0x0: {  	(tag) =	ssettag $0x1  }
0x1: {  	s0 =	srdreg.scid;
	s2 =	rddreg [dreg:$0x0]  }
0x2: {  	s10 =	stileid.u32;
	s4 =	rddreg [dreg:$0x1];
	s3 =	simm.s32 $0x0  }
0x3: {  	s12 =	simm.s32 $0x3;
	s13 =	simm.s32 $0x380;
	s21 =	simm.s32 $0x4380  }
0x4: {  	s28 =	simm.s32 $0x7380;
	s29 =	simm.s32 $0x7B80;
	s30 =	simm.s32 $0x8380  }
0x5: {  	s31 =	simm.s32 $0x8B80;
	s11 =	simm.s32 $0xBB80;
	s9 =	smul.u32 $0xC8, s10  }
0x6: {  	s14 =	simm.s32 $0x1;
	s0 =	sand.u32 $0x1, s0;
	s23 =	smul.u32 $0x32, s10  }
0x7: {  	s15 =	simm.s32 $0x2;
	s1 =	sshll.u32 s10, $0x1;
	s24 =	smul.u32 $0x19, s0  }
0x8: {  	s1 =	sor.u32 s0, s1;
	s22 =	ssub.s32 $0x2, s0;
	s0 =	smul.u32 $0x64, s0  }
0x9: {  	s17 =	simm.s32 $0x0;
	[smem:$0x7FF] =	sst s3;
	s5 =	smul.u32 $0x19, s1  }
0xa: {  	_ =	strace $0x8000004A;
	s1 =	smul.u32 $0x64, s1;
	s8 =	sshrl.u32 s22, $0x1  }
0xb: {  	s8 =	ssub.s32 s22, s8;
	s10 =	sadd.s32 s0, s9;
	s22 =	simm.s32 $0x4B80  }
0xc: {  	s0 =	simm.s32 $0x9B80;
	s9 =	simm.s32 $0xB380;
	s5 =	sadd.s32 $0x18, s5  }
0xd: {  	s1 =	sadd.s32 s1, s4;
	s4 =	sadd.s32 $0x25A200, s4;
	s25 =	smax.u32 s8, $0x1  }
0xe: {  	s8 =	simm.s32 $0xAB80;
	s6 =	sshrl.u32 s5, $0x5;
	s5 =	sshll.u32 s5, $0x2  }
0xf: {  	s1 =	sadd.s32 $0x1400, s1;
	s7 =	smul.u32 $0xC0000, s6;
	s5 =	sand.u32 $0x7C, s5  }
0x10: {  	[dreg:$0x5] =	wrdreg s25;
	s25 =	simm.s32 $0x6380;
	s5 =	smul.u32 $0x1800, s5  }
.Ltmp0:
0x11: {  	[dreg:$0x3] =	wrdreg s1;
	s6 =	sadd.s32 $0x100, s2;
	(pc) =	sbr.rel .LBB2_1-.Ltmp0, $4  }
0x12: {  	s1 =	sadd.s32 s24, s23;
	s23 =	simm.s32 $0x5380;
	s5 =	sadd.s32 s7, s5  }
0x13: {  	v2 =	vlaneseq.u32;
	s24 =	simm.s32 $0x5B80;
	s26 =	sadd.s32 $0x1, s1;
	s5 =	sshrl.u32 s5, $0x3  }
0x14: {  	vm0 =	vmmov $0xffff;
	v1 =	vshrl.u32 v2, $0x3;
	s1 =	simm.s32 $0x9380;
	[dreg:$0x6] =	wrdreg s26;
	s5 =	sadd.s32 s4, s5  }
0x15: {  	v0 =	vand.u32 $0x7, v2;
	v2 =	vor.u32 $0x8, v2;
	v1 =	vmul.u32 $0x8, v1;
	s7 =	sadd.s32 $0x200, s2;
	[dreg:$0x4] =	wrdreg s5;
	s5 =	simm.s32 $0xA380  }
.LBB2_4:
0x16: {  	_ =	swait.ge [sflag:s14], $0x6000  }
0x17: {  	[sflag:s14] =	ssyncset.done $0x0  }
0x18: {  	s16 =	rddreg [dreg:$0x4];
	[sflag:s14] =	ssyncadd.s32 $0xFFFFA000  }
0x19: {  	[hbm4b:s16+s3] =	stream.linear.scatter [tilespmem:s13], [sflag:$0x3], $0x6000, $0x38;
	[tilespmem:$0xC380] =	vst v63  }
0x1a: {  	_ =	swait.ge [sflag:s12], $0x6000  }
0x1b: {  	s17 =	rddreg [dreg:$0x7]  }
0x1c: {  	s26 =	rddreg [dreg:$0x5];
	s17 =	sadd.s32 $0x1, s17  }
0x1d: {  	p0 =	sne.s32 s17, s26  }
.Ltmp1:
0x1e: {  	_ = 	snop;
	(pc) =	sbr.rel @!p0 .LBB2_5-.Ltmp1, $3  }
0x1f: {  	_ =	sdelay $0x1  }
0x20: {  	[sflag:s12] =	ssyncset.done $0x0  }
0x21: {  	[sflag:s12] =	ssyncadd.s32 $0xFFFFA000  }
.LBB2_1:
0x22: {  	[dreg:$0x7] =	wrdreg s17  }
0x23: {  	s16 =	rddreg [dreg:$0x3]  }
0x24: {  	[tilespmem:s3], [sflag:$0x3] =	stream.linear.gather [hbm4b:s16+s3], $0x320, $0x38;
	[tilespmem:$0xC380] =	vst v63  }
0x25: {  	_ =	swait.ge [sflag:s12], $0x320  }
0x26: {  	[sflag:s12] =	ssyncset.done $0x0  }
0x27: {  	[sflag:s12] =	ssyncadd.s32 $0xFFFFFCE0  }
0x28: {  	v3 =	vld [tilespmem:$0x0];
	_ =	sdelay $0x4  }
0x29: {  	v4 =	vshrl.u32 v3, $0x3  }
0x2a: {  	v4 =	vmul.u32 $0x30, v4  }
0x2b: {  	v3 =	vand.u32 $0x7, v3  }
0x2c: {  	v3 =	vor.u32 v3, v4  }
0x2d: {  	v4 =	vperm.xlane v3, v0;
	_ =	sdelay $0x1  }
0x2e: {  	v4 =	vadd.s32 v1, v4;
	_ =	sdelay $0x3  }
0x2f: {  	v3 =	vperm.xlane v3, v2  }
0x30: {  	[tilespmem:s13], [sflag:$0x1] =	stream.indirect_vreg.gather [hbm4b:s2+s3], $0x80, v4, vm0, $0xb8;
	[tilespmem:$0xC380] =	vst v63  }
0x31: {  	s19 =	simm.s32 $0xB80;
	v3 =	vadd.s32 v1, v3  }
0x32: {  	[tilespmem:s19], [sflag:$0x1] =	stream.indirect_vreg.gather [hbm4b:s6+s3], $0x80, v4, vm0, $0xb8;
	[tilespmem:$0xC380] =	vst v63  }
0x33: {  	s20 =	simm.s32 $0x1380  }
0x34: {  	[tilespmem:s20], [sflag:$0x1] =	stream.indirect_vreg.gather [hbm4b:s7+s3], $0x80, v4, vm0, $0xb8;
	[tilespmem:$0xC380] =	vst v63  }
0x35: {  	s26 =	simm.s32 $0x1B80  }
0x36: {  	[tilespmem:s26], [sflag:$0x1] =	stream.indirect_vreg.gather [hbm4b:s2+s3], $0x80, v3, vm0, $0xb8;
	[tilespmem:$0xC380] =	vst v63  }
0x37: {  	s17 =	simm.s32 $0x2380  }
0x38: {  	[tilespmem:s17], [sflag:$0x1] =	stream.indirect_vreg.gather [hbm4b:s6+s3], $0x80, v3, vm0, $0xb8;
	[tilespmem:$0xC380] =	vst v63  }
0x39: {  	s18 =	simm.s32 $0x2B80  }
0x3a: {  	[tilespmem:s18], [sflag:$0x1] =	stream.indirect_vreg.gather [hbm4b:s7+s3], $0x80, v3, vm0, $0xb8;
	[tilespmem:$0xC380] =	vst v63  }
0x3b: {  	v3 =	vld [tilespmem:$0x10];
	_ =	sdelay $0x4  }
0x3c: {  	v61 =	vshrl.u32 v3, $0x3  }
0x3d: {  	v4 =	vmul.u32 $0x30, v61  }
0x3e: {  	v3 =	vand.u32 $0x7, v3  }
0x3f: {  	v3 =	vor.u32 v3, v4  }
0x40: {  	v4 =	vperm.xlane v3, v0;
	_ =	sdelay $0x1  }
0x41: {  	v4 =	vadd.s32 v1, v4;
	_ =	sdelay $0x3  }
0x42: {  	s19 =	simm.s32 $0x3380;
	v3 =	vperm.xlane v3, v2  }
0x43: {  	[tilespmem:s19], [sflag:$0x1] =	stream.indirect_vreg.gather [hbm4b:s2+s3], $0x80, v4, vm0, $0xb8;
	[tilespmem:$0xC380] =	vst v63  }
0x44: {  	s20 =	simm.s32 $0x3B80;
	v3 =	vadd.s32 v1, v3  }
0x45: {  	[tilespmem:s20], [sflag:$0x1] =	stream.indirect_vreg.gather [hbm4b:s6+s3], $0x80, v4, vm0, $0xb8;
	[tilespmem:$0xC380] =	vst v63  }
0x46: {  	_ = 	snop  }
0x47: {  	[tilespmem:s21], [sflag:$0x1] =	stream.indirect_vreg.gather [hbm4b:s7+s3], $0x80, v4, vm0, $0xb8;
	[tilespmem:$0xC380] =	vst v63  }
0x48: {  	_ = 	snop  }
0x49: {  	[tilespmem:s22], [sflag:$0x1] =	stream.indirect_vreg.gather [hbm4b:s2+s3], $0x80, v3, vm0, $0xb8;
	[tilespmem:$0xC380] =	vst v63  }
0x4a: {  	_ = 	snop  }
0x4b: {  	[tilespmem:s23], [sflag:$0x1] =	stream.indirect_vreg.gather [hbm4b:s6+s3], $0x80, v3, vm0, $0xb8;
	[tilespmem:$0xC380] =	vst v63  }
0x4c: {  	_ = 	snop  }
0x4d: {  	[tilespmem:s24], [sflag:$0x1] =	stream.indirect_vreg.gather [hbm4b:s7+s3], $0x80, v3, vm0, $0xb8;
	[tilespmem:$0xC380] =	vst v63  }
0x4e: {  	v3 =	vld [tilespmem:$0x20];
	_ =	sdelay $0x4  }
0x4f: {  	v62 =	vshrl.u32 v3, $0x3  }
0x50: {  	v4 =	vmul.u32 $0x30, v62  }
0x51: {  	v3 =	vand.u32 $0x7, v3  }
0x52: {  	v3 =	vor.u32 v3, v4  }
0x53: {  	v4 =	vperm.xlane v3, v0;
	_ =	sdelay $0x1  }
0x54: {  	v4 =	vadd.s32 v1, v4;
	_ =	sdelay $0x3  }
0x55: {  	v3 =	vperm.xlane v3, v2  }
0x56: {  	[tilespmem:s25], [sflag:$0x2] =	stream.indirect_vreg.gather [hbm4b:s2+s3], $0x80, v4, vm0, $0xb8;
	[tilespmem:$0xC380] =	vst v63  }
0x57: {  	s26 =	simm.s32 $0x6B80;
	v3 =	vadd.s32 v1, v3  }
0x58: {  	[tilespmem:s26], [sflag:$0x2] =	stream.indirect_vreg.gather [hbm4b:s6+s3], $0x80, v4, vm0, $0xb8;
	[tilespmem:$0xC380] =	vst v63  }
0x59: {  	_ = 	snop  }
0x5a: {  	[tilespmem:s28], [sflag:$0x2] =	stream.indirect_vreg.gather [hbm4b:s7+s3], $0x80, v4, vm0, $0xb8;
	[tilespmem:$0xC380] =	vst v63  }
0x5b: {  	_ = 	snop  }
0x5c: {  	[tilespmem:s29], [sflag:$0x2] =	stream.indirect_vreg.gather [hbm4b:s2+s3], $0x80, v3, vm0, $0xb8;
	[tilespmem:$0xC380] =	vst v63  }
0x5d: {  	_ = 	snop  }
0x5e: {  	[tilespmem:s30], [sflag:$0x2] =	stream.indirect_vreg.gather [hbm4b:s6+s3], $0x80, v3, vm0, $0xb8;
	[tilespmem:$0xC380] =	vst v63  }
0x5f: {  	_ = 	snop  }
0x60: {  	[tilespmem:s31], [sflag:$0x2] =	stream.indirect_vreg.gather [hbm4b:s7+s3], $0x80, v3, vm0, $0xb8;
	[tilespmem:$0xC380] =	vst v63  }
0x61: {  	v3 =	vld [tilespmem:$0x30];
	_ =	sdelay $0x4  }
0x62: {  	v63 =	vshrl.u32 v3, $0x3  }
0x63: {  	v4 =	vmul.u32 $0x30, v63  }
0x64: {  	v3 =	vand.u32 $0x7, v3  }
0x65: {  	v3 =	vor.u32 v3, v4  }
0x66: {  	v4 =	vperm.xlane v3, v0;
	_ =	sdelay $0x1  }
0x67: {  	v4 =	vadd.s32 v1, v4;
	_ =	sdelay $0x3  }
0x68: {  	v3 =	vperm.xlane v3, v2  }
0x69: {  	[tilespmem:s1], [sflag:$0x2] =	stream.indirect_vreg.gather [hbm4b:s2+s3], $0x80, v4, vm0, $0xb8;
	[tilespmem:$0xC380] =	vst v63  }
0x6a: {  	v3 =	vadd.s32 v1, v3  }
0x6b: {  	[tilespmem:s0], [sflag:$0x2] =	stream.indirect_vreg.gather [hbm4b:s6+s3], $0x80, v4, vm0, $0xb8;
	[tilespmem:$0xC380] =	vst v63  }
0x6c: {  	_ = 	snop  }
0x6d: {  	[tilespmem:s5], [sflag:$0x2] =	stream.indirect_vreg.gather [hbm4b:s7+s3], $0x80, v4, vm0, $0xb8;
	[tilespmem:$0xC380] =	vst v63  }
0x6e: {  	_ = 	snop  }
0x6f: {  	[tilespmem:s8], [sflag:$0x2] =	stream.indirect_vreg.gather [hbm4b:s2+s3], $0x80, v3, vm0, $0xb8;
	[tilespmem:$0xC380] =	vst v63  }
0x70: {  	_ = 	snop  }
0x71: {  	[tilespmem:s9], [sflag:$0x2] =	stream.indirect_vreg.gather [hbm4b:s6+s3], $0x80, v3, vm0, $0xb8;
	[tilespmem:$0xC380] =	vst v63  }
0x72: {  	s16 =	simm.s32 $0x70;
	s17 =	rddreg [dreg:$0x6];
	s18 =	simm.s32 $0x0  }
0x73: {  	[tilespmem:s11], [sflag:$0x2] =	stream.indirect_vreg.gather [hbm4b:s7+s3], $0x80, v3, vm0, $0xb8;
	[tilespmem:$0xC380] =	vst v63  }
.LBB2_2:
0x74: {  	s26 =	sadd.s32 $0xFFFFFFFF, s17  }
0x75: {  	s19 =	sadd.s32 s18, s10;
	s26 =	sshrl.u32 s26, $0x5  }
0x76: {  	s20 =	sand.u32 $0x7C, s19;
	s26 =	smul.u32 $0xC0000, s26  }
0x77: {  	s20 =	smul.u32 $0x1800, s20;
	_ =	sdelay $0x1  }
0x78: {  	_ =	swait.ge [sflag:s14], $0x6000;
	s20 =	sadd.s32 s26, s20  }
0x79: {  	[sflag:s14] =	ssyncset.done $0x0;
	s20 =	sshrl.u32 s20, $0x3  }
0x7a: {  	[sflag:s14] =	ssyncadd.s32 $0xFFFFA000;
	s20 =	sadd.s32 s4, s20  }
0x7b: {  	[hbm4b:s20+s3] =	stream.linear.scatter [tilespmem:s13], [sflag:$0x3], $0x6000, $0x38;
	[tilespmem:$0xC380] =	vst v63  }
0x7c: {  	_ =	swait.ge [sflag:s12], $0x6000  }
0x7d: {  	[sflag:s12] =	ssyncset.done $0x0  }
0x7e: {  	[sflag:s12] =	ssyncadd.s32 $0xFFFFA000  }
0x7f: {  	v3 =	vld [tilespmem:s16+$0xFFFFFFD0];
	_ =	sdelay $0x4  }
0x80: {  	v4 =	vshrl.u32 v3, $0x3  }
0x81: {  	v4 =	vmul.u32 $0x30, v4  }
0x82: {  	v3 =	vand.u32 $0x7, v3  }
0x83: {  	v3 =	vor.u32 v3, v4  }
0x84: {  	v4 =	vperm.xlane v3, v0;
	_ =	sdelay $0x1  }
0x85: {  	v4 =	vadd.s32 v1, v4;
	_ =	sdelay $0x3  }
0x86: {  	v3 =	vperm.xlane v3, v2  }
0x87: {  	[tilespmem:s13], [sflag:$0x1] =	stream.indirect_vreg.gather [hbm4b:s2+s3], $0x80, v4, vm0, $0xb8;
	[tilespmem:$0xC380] =	vst v63  }
0x88: {  	s26 =	simm.s32 $0xB80;
	v3 =	vadd.s32 v1, v3  }
0x89: {  	[tilespmem:s26], [sflag:$0x1] =	stream.indirect_vreg.gather [hbm4b:s6+s3], $0x80, v4, vm0, $0xb8;
	[tilespmem:$0xC380] =	vst v63  }
0x8a: {  	s26 =	simm.s32 $0x1380  }
0x8b: {  	[tilespmem:s26], [sflag:$0x1] =	stream.indirect_vreg.gather [hbm4b:s7+s3], $0x80, v4, vm0, $0xb8;
	[tilespmem:$0xC380] =	vst v63  }
0x8c: {  	s26 =	simm.s32 $0x1B80  }
0x8d: {  	[tilespmem:s26], [sflag:$0x1] =	stream.indirect_vreg.gather [hbm4b:s2+s3], $0x80, v3, vm0, $0xb8;
	[tilespmem:$0xC380] =	vst v63  }
0x8e: {  	s26 =	simm.s32 $0x2380  }
0x8f: {  	[tilespmem:s26], [sflag:$0x1] =	stream.indirect_vreg.gather [hbm4b:s6+s3], $0x80, v3, vm0, $0xb8;
	[tilespmem:$0xC380] =	vst v63  }
0x90: {  	s26 =	simm.s32 $0x2B80  }
0x91: {  	[tilespmem:s26], [sflag:$0x1] =	stream.indirect_vreg.gather [hbm4b:s7+s3], $0x80, v3, vm0, $0xb8;
	[tilespmem:$0xC380] =	vst v63  }
0x92: {  	v3 =	vld [tilespmem:s16+$0xFFFFFFE0];
	_ =	sdelay $0x4  }
0x93: {  	v63 =	vshrl.u32 v3, $0x3  }
0x94: {  	v4 =	vmul.u32 $0x30, v63  }
0x95: {  	v3 =	vand.u32 $0x7, v3  }
0x96: {  	v3 =	vor.u32 v3, v4  }
0x97: {  	v4 =	vperm.xlane v3, v0;
	_ =	sdelay $0x1  }
0x98: {  	v4 =	vadd.s32 v1, v4;
	_ =	sdelay $0x3  }
0x99: {  	s26 =	simm.s32 $0x3380;
	v3 =	vperm.xlane v3, v2  }
0x9a: {  	[tilespmem:s26], [sflag:$0x1] =	stream.indirect_vreg.gather [hbm4b:s2+s3], $0x80, v4, vm0, $0xb8;
	[tilespmem:$0xC380] =	vst v63  }
0x9b: {  	v3 =	vadd.s32 v1, v3;
	s26 =	simm.s32 $0x3B80  }
0x9c: {  	[tilespmem:s26], [sflag:$0x1] =	stream.indirect_vreg.gather [hbm4b:s6+s3], $0x80, v4, vm0, $0xb8;
	[tilespmem:$0xC380] =	vst v63  }
0x9d: {  	s19 =	sadd.s32 $0x4, s19  }
0x9e: {  	[tilespmem:s21], [sflag:$0x1] =	stream.indirect_vreg.gather [hbm4b:s7+s3], $0x80, v4, vm0, $0xb8;
	[tilespmem:$0xC380] =	vst v63  }
0x9f: {  	s19 =	sand.u32 $0x7C, s19  }
0xa0: {  	[tilespmem:s22], [sflag:$0x1] =	stream.indirect_vreg.gather [hbm4b:s2+s3], $0x80, v3, vm0, $0xb8;
	[tilespmem:$0xC380] =	vst v63  }
0xa1: {  	s19 =	smul.u32 $0x1800, s19;
	s26 =	sshrl.u32 s17, $0x5  }
0xa2: {  	[tilespmem:s23], [sflag:$0x1] =	stream.indirect_vreg.gather [hbm4b:s6+s3], $0x80, v3, vm0, $0xb8;
	[tilespmem:$0xC380] =	vst v63  }
0xa3: {  	s20 =	smul.u32 $0xC0000, s26  }
0xa4: {  	[tilespmem:s24], [sflag:$0x1] =	stream.indirect_vreg.gather [hbm4b:s7+s3], $0x80, v3, vm0, $0xb8;
	[tilespmem:$0xC380] =	vst v63  }
0xa5: {  	s19 =	sadd.s32 s20, s19;
	_ =	swait.ge [sflag:s15], $0x6000  }
0xa6: {  	p0 =	seq.s32 s18, $0x58;
	s19 =	sshrl.u32 s19, $0x3;
	[sflag:s15] =	ssyncset.done $0x0  }
.Ltmp2:
0xa7: {  	s19 =	sadd.s32 s4, s19;
	[sflag:s15] =	ssyncadd.s32 $0xFFFFA000;
	(pc) =	sbr.rel @p0 .LBB2_4-.Ltmp2, $4  }
0xa8: {  	[hbm4b:s19+s3] =	stream.linear.scatter [tilespmem:s25], [sflag:$0x3], $0x6000, $0x38;
	[tilespmem:$0xC380] =	vst v63  }
0xa9: {  	_ =	swait.ge [sflag:s12], $0x6000  }
0xaa: {  	[sflag:s12] =	ssyncset.done $0x0  }
0xab: {  	[sflag:s12] =	ssyncadd.s32 $0xFFFFA000  }
0xac: {  	v3 =	vld [tilespmem:s16+$0xFFFFFFF0];
	_ =	sdelay $0x4  }
0xad: {  	v4 =	vshrl.u32 v3, $0x3  }
0xae: {  	v4 =	vmul.u32 $0x30, v4  }
0xaf: {  	v3 =	vand.u32 $0x7, v3  }
0xb0: {  	v3 =	vor.u32 v3, v4  }
0xb1: {  	v4 =	vperm.xlane v3, v0;
	_ =	sdelay $0x1  }
0xb2: {  	v4 =	vadd.s32 v1, v4;
	_ =	sdelay $0x3  }
0xb3: {  	v3 =	vperm.xlane v3, v2  }
0xb4: {  	[tilespmem:s25], [sflag:$0x2] =	stream.indirect_vreg.gather [hbm4b:s2+s3], $0x80, v4, vm0, $0xb8;
	[tilespmem:$0xC380] =	vst v63  }
0xb5: {  	s19 =	simm.s32 $0x6B80;
	v3 =	vadd.s32 v1, v3  }
0xb6: {  	[tilespmem:s19], [sflag:$0x2] =	stream.indirect_vreg.gather [hbm4b:s6+s3], $0x80, v4, vm0, $0xb8;
	[tilespmem:$0xC380] =	vst v63  }
0xb7: {  	_ = 	snop  }
0xb8: {  	[tilespmem:s28], [sflag:$0x2] =	stream.indirect_vreg.gather [hbm4b:s7+s3], $0x80, v4, vm0, $0xb8;
	[tilespmem:$0xC380] =	vst v63  }
0xb9: {  	_ = 	snop  }
0xba: {  	[tilespmem:s29], [sflag:$0x2] =	stream.indirect_vreg.gather [hbm4b:s2+s3], $0x80, v3, vm0, $0xb8;
	[tilespmem:$0xC380] =	vst v63  }
0xbb: {  	_ = 	snop  }
0xbc: {  	[tilespmem:s30], [sflag:$0x2] =	stream.indirect_vreg.gather [hbm4b:s6+s3], $0x80, v3, vm0, $0xb8;
	[tilespmem:$0xC380] =	vst v63  }
0xbd: {  	_ = 	snop  }
0xbe: {  	[tilespmem:s31], [sflag:$0x2] =	stream.indirect_vreg.gather [hbm4b:s7+s3], $0x80, v3, vm0, $0xb8;
	[tilespmem:$0xC380] =	vst v63  }
0xbf: {  	v3 =	vld [tilespmem:s16+$0x0];
	_ =	sdelay $0x4  }
0xc0: {  	v63 =	vshrl.u32 v3, $0x3  }
0xc1: {  	v4 =	vmul.u32 $0x30, v63  }
0xc2: {  	v3 =	vand.u32 $0x7, v3  }
0xc3: {  	v3 =	vor.u32 v3, v4  }
0xc4: {  	v4 =	vperm.xlane v3, v0;
	_ =	sdelay $0x1  }
0xc5: {  	v4 =	vadd.s32 v1, v4;
	_ =	sdelay $0x3  }
0xc6: {  	v3 =	vperm.xlane v3, v2  }
0xc7: {  	[tilespmem:s1], [sflag:$0x2] =	stream.indirect_vreg.gather [hbm4b:s2+s3], $0x80, v4, vm0, $0xb8;
	[tilespmem:$0xC380] =	vst v63  }
0xc8: {  	v3 =	vadd.s32 v1, v3  }
0xc9: {  	[tilespmem:s0], [sflag:$0x2] =	stream.indirect_vreg.gather [hbm4b:s6+s3], $0x80, v4, vm0, $0xb8;
	[tilespmem:$0xC380] =	vst v63  }
0xca: {  	_ = 	snop  }
0xcb: {  	[tilespmem:s5], [sflag:$0x2] =	stream.indirect_vreg.gather [hbm4b:s7+s3], $0x80, v4, vm0, $0xb8;
	[tilespmem:$0xC380] =	vst v63  }
0xcc: {  	_ = 	snop  }
0xcd: {  	[tilespmem:s8], [sflag:$0x2] =	stream.indirect_vreg.gather [hbm4b:s2+s3], $0x80, v3, vm0, $0xb8;
	[tilespmem:$0xC380] =	vst v63  }
.Ltmp3:
0xce: {  	_ = 	snop;
	(pc) =	sbr.rel .LBB2_2-.Ltmp3, $4  }
0xcf: {  	_ = 	snop  }
0xd0: {  	[tilespmem:s9], [sflag:$0x2] =	stream.indirect_vreg.gather [hbm4b:s6+s3], $0x80, v3, vm0, $0xb8;
	[tilespmem:$0xC380] =	vst v63  }
0xd1: {  	s18 =	sadd.s32 $0x8, s18;
	s17 =	sadd.s32 $0x2, s17;
	s16 =	sadd.s32 $0x40, s16  }
0xd2: {  	[tilespmem:s11], [sflag:$0x2] =	stream.indirect_vreg.gather [hbm4b:s7+s3], $0x80, v3, vm0, $0xb8;
	[tilespmem:$0xC380] =	vst v63  }
.LBB2_5:
0xd3: {  	_ =	sfence.sel $0x180000  }
0xd4: {  	[bflag:$0x0] =	sbarrier.arrive $0xFFFF  }
0xd5: {  	_ =	strace $0x9000004A  }
0xd6: {  	s0 =	stileid.u32;
	[bflag:$0x2] =	sbarrier.arrive $0xFFFF  }
0xd7: {  	p0 =	sne.s32 s0, $0x0;
	s0 =	rddreg [dreg:$0x2]  }
0xd8: {  	s0 =	sadd.s32 @!p0 $0x100000, s0  }
0xd9: {  	[sflag:s0] =	ssyncadd.tile.s32 @!p0 $0x1;
	_ =	shalt  }
.Lfunc_end2:
_tile_overlayer_lowered:
.L_overlay_start_2:
0xda: {  	(tag) =	ssettag $0x2  }
0xdb: {  	s0 =	rddreg [dreg:$0x0];
	s2 =	stileid.u32  }
0xdc: {  	s1 =	rddreg [dreg:$0x1];
	p0 =	sne.s32 s2, $0x0  }
0xdd: {  	s3 =	rddreg [dreg:$0x2];
	[bflag:$0x3] =	sbarrier.arrive $0xFFFF;
	s2 =	simm.s32 @!p0 $0x1C03  }
0xde: {  	[timem:s3], [sflag:s2] =	dma.local @!p0 [hbm:s0], s1  }
0xdf: {  	s0 =	simm.s32 @!p0 $0x3  }
0xe0: {  	_ =	swait.ge @!p0 [sflag:s0], s1  }
0xe1: {  	s1 =	ssub.s32 @!p0 $0x0, s1;
	[sflag:s0] =	ssyncset.done @!p0 $0x0  }
0xe2: {  	[sflag:s0] =	ssyncadd.s32 @!p0 s1  }
0xe3: {  	[bflag:$0x3] =	sbarrier.arrive $0xFFFF  }
0xe4: {  	_ =	shalt  }

</sc_bundles>
